<compile_context>
chip_gen: v7x
topology: tpu7x:2x2x1
jax: 0.10.2.dev20260603
libtpu: 0.0.44.dev20260713+nightly
codegen_flags: <defaults>
</compile_context>

<pallas_src>
import functools

import jax
import jax.numpy as jnp
from jax import lax
from jax.experimental import pallas as pl
from jax.experimental.pallas import tpu as pltpu
from jax.experimental.pallas import tpu_sc as plsc

N_NODES = 10000
N_EDGES = 320000
D = 128

NC = 2
NS = 16
NW = NC * NS

EPT = N_EDGES // NW
K = 125
NCHUNK = 80

H_BINS = 10240
H_R = 80
A_ROWS_T = 632
A_ROWS = A_ROWS_T * NS

_mesh = plsc.VectorSubcoreMesh(core_axis_name="c", subcore_axis_name="s")


def _wid():
  return lax.axis_index("s") * NC + lax.axis_index("c")


@functools.partial(
    pl.kernel,
    out_type=jax.ShapeDtypeStruct((NC, H_R, 128), jnp.float32),
    mesh=_mesh,
    scratch_types=[
        pltpu.VMEM((EPT,), jnp.int32),
        pltpu.VMEM((1, H_R), jnp.int32),
        pltpu.VMEM((H_R, 128), jnp.float32),
        pltpu.VMEM_SHARED((H_R, 128), jnp.float32),
    ],
    compiler_params=pltpu.CompilerParams(needs_layout_passes=False),
)
def _deg_kernel(dst2_hbm, iota_hbm, z_hbm, deg_out, idx_v, iota_v, hist_v,
                hist_sh):
  cid = lax.axis_index("c")
  sid = lax.axis_index("s")
  wid = _wid()
  pltpu.sync_copy(iota_hbm, iota_v)
  pltpu.sync_copy(z_hbm, hist_v)
  pltpu.sync_copy(dst2_hbm.at[wid], idx_v)

  @pl.when(sid == 0)
  def _():
    pltpu.sync_copy(z_hbm, hist_sh)

  ones16 = jnp.ones((16,), jnp.float32)

  def grp(j, carry):
    idx = idx_v[pl.ds(j * 16, 16)]
    row = lax.shift_right_logical(idx, 7)
    col = lax.bitwise_and(idx, 127)
    plsc.addupdate_scatter(hist_v, [row, col], ones16)
    return carry

  lax.fori_loop(0, EPT // 16, grp, 0)
  plsc.subcore_barrier()
  pltpu.sync_copy(hist_v, hist_sh.at[iota_v.at[0]], add=True)
  plsc.subcore_barrier()

  @pl.when(sid == 0)
  def _():
    pltpu.sync_copy(hist_sh, deg_out.at[cid])


def _scale_body(degp_ref, x_ref, v_ref):
  deg = degp_ref[0, :N_NODES] + degp_ref[1, :N_NODES] + 1.0
  dinv = lax.rsqrt(deg)
  v_ref[...] = x_ref[...] * dinv[:, None]


def _scale_call(degp, x):
  return pl.pallas_call(
      _scale_body,
      out_shape=jax.ShapeDtypeStruct((N_NODES, D), jnp.float32),
  )(degp, x)


@functools.partial(
    pl.kernel,
    out_type=jax.ShapeDtypeStruct((NC, A_ROWS, D), jnp.float32),
    mesh=_mesh,
    scratch_types=[
        pltpu.VMEM((NCHUNK // 2, K), jnp.int32),
        pltpu.VMEM((NCHUNK // 2, K), jnp.int32),
        pltpu.VMEM((2, K, D), jnp.float32),
        pltpu.SemaphoreType.DMA,
        pltpu.SemaphoreType.DMA,
        pltpu.VMEM_SHARED((A_ROWS, D), jnp.float32),
    ],
)
def _edge_kernel(src3_hbm, dst3_hbm, v_hbm, z_hbm, acc_out,
                 idxd_v, idxs_v, rows_v, gsem0, gsem1, acc_sh):
  cid = lax.axis_index("c")
  sid = lax.axis_index("s")
  wid = _wid()
  gsem = [gsem0, gsem1]
  HALF = NCHUNK // 2
  pltpu.sync_copy(z_hbm, acc_sh.at[pl.ds(sid * A_ROWS_T, A_ROWS_T)])
  plsc.subcore_barrier()

  for h in range(2):
    pltpu.sync_copy(dst3_hbm.at[wid, pl.ds(h * HALF, HALF)], idxd_v)
    pltpu.sync_copy(src3_hbm.at[wid, pl.ds(h * HALF, HALF)], idxs_v)
    pltpu.async_copy(v_hbm.at[idxs_v.at[0]], rows_v.at[0], gsem0)
    pltpu.async_copy(v_hbm.at[idxs_v.at[1]], rows_v.at[1], gsem1)

    def body(cc, carry):
      for rb in range(2):
        c = cc * 2 + rb
        pltpu.make_async_copy(
            v_hbm.at[idxs_v.at[c]], rows_v.at[rb], gsem[rb]).wait()
        pltpu.sync_copy(rows_v.at[rb], acc_sh.at[idxd_v.at[c]], add=True)

        @pl.when(c + 2 < HALF)
        def _():
          pltpu.async_copy(
              v_hbm.at[idxs_v.at[c + 2]], rows_v.at[rb], gsem[rb])
      return carry

    lax.fori_loop(0, HALF // 2, body, 0)

  plsc.subcore_barrier()
  pltpu.sync_copy(
      acc_sh.at[pl.ds(sid * A_ROWS_T, A_ROWS_T)],
      acc_out.at[cid, pl.ds(sid * A_ROWS_T, A_ROWS_T)],
  )


def _mm_body(x_ref, w_ref, o_ref):
  o_ref[...] = jnp.dot(
      x_ref[...], w_ref[...], preferred_element_type=jnp.float32)


def _mm_call(x, W):
  return pl.pallas_call(
      _mm_body,
      out_shape=jax.ShapeDtypeStruct((N_NODES, D), jnp.float32),
  )(x, W)


def _out_body(accp_ref, degp_ref, xw_ref, b_ref, o_ref):
  deg = degp_ref[0, :N_NODES] + degp_ref[1, :N_NODES] + 1.0
  dinv = lax.rsqrt(deg)
  s = accp_ref[0, :N_NODES] + accp_ref[1, :N_NODES] + xw_ref[...] * dinv[:, None]
  o_ref[...] = s * dinv[:, None] + b_ref[...][None, :]


def _out_call(accp, degp, xw, b):
  return pl.pallas_call(
      _out_body,
      out_shape=jax.ShapeDtypeStruct((N_NODES, D), jnp.float32),
  )(accp, degp, xw, b)


def kernel(x, edge_index, W, b):
  ei = edge_index.astype(jnp.int32)
  src = ei[0]
  dst = ei[1]
  src3 = src.reshape(NW, NCHUNK, K)
  dst3 = dst.reshape(NW, NCHUNK, K)
  dst2 = dst.reshape(NW, EPT)
  iota_r = jnp.arange(H_R, dtype=jnp.int32).reshape(1, H_R)
  z_hist = jnp.zeros((H_R, 128), jnp.float32)
  z_acc = jnp.zeros((A_ROWS_T, D), jnp.float32)

  xw = _mm_call(x, W)
  degp = _deg_kernel(dst2, iota_r, z_hist)
  degf = degp.reshape(NC, H_BINS)
  v = _scale_call(degf, xw)
  accp = _edge_kernel(src3, dst3, v, z_acc)
  return _out_call(accp, degf, xw, b)

# --- scband reference (transcript-rebuilt; emitter-appended) ---
"""Pipeline reference for scband-mpg-84464826843561 (READ-ONLY COPY).

The authoritative reference and input builder live on the scoring server;
editing this copy changes nothing except your own understanding.
"""

import jax, jax.numpy as jnp
import numpy as np

N_NODES = 10000
N_EDGES = 320000
D_IN = 128
D_OUT = 128

def setup_inputs(seed: int = 0) -> dict:
    key = jax.random.key(seed)
    k1, k2, k3, k4 = jax.random.split(key, 4)
    x = jax.random.normal(k1, (N_NODES, D_IN), dtype=jnp.float32)
    edge_index = jax.random.randint(k2, (2, N_EDGES), 0, N_NODES, dtype=jnp.int64)
    # GCNConv linear weight (glorot) and bias (zeros init in PyG)
    limit = float(np.sqrt(6.0 / (D_IN + D_OUT)))
    W = jax.random.uniform(k3, (D_IN, D_OUT), dtype=jnp.float32, minval=-limit, maxval=limit)
    b = jnp.zeros((D_OUT,), dtype=jnp.float32)
    return {"x": x, "edge_index": edge_index, "W": W, "b": b}

def reference(x, edge_index, W, b):
    # Faithful GCNConv (torch_geometric) forward:
    # gcn_norm with add_self_loops=True, then x @ W, propagate (sum at dst), + bias.
    N = x.shape[0]
    src = edge_index[0]
    dst = edge_index[1]
    loop = jnp.arange(N, dtype=edge_index.dtype)
    src = jnp.concatenate([src, loop])
    dst = jnp.concatenate([dst, loop])
    edge_weight = jnp.ones(src.shape[0], dtype=x.dtype)
    deg = jnp.zeros((N,), dtype=x.dtype).at[dst].add(edge_weight)
    deg_inv_sqrt = jnp.where(deg > 0, deg ** -0.5, 0.0)
    norm = deg_inv_sqrt[src] * edge_weight * deg_inv_sqrt[dst]
    h = x @ W
    msg = h[src] * norm[:, None]
    out = jnp.zeros((N, h.shape[1]), dtype=h.dtype).at[dst].add(msg)
    out = out + b
    # original module returns (x, g); the graph object g is a passthrough
    return out

if __name__ == "__main__":
    import jax
    _d = setup_inputs()
    print(jax.jit(kernel)(*tuple(_d.values())))

</pallas_src>

<mosaic_0001>
#map = affine_map<(d0, d1) -> (0, 0)>
#map1 = affine_map<(d0, d1) -> (0, 0, 0)>
module attributes {stable_mosaic.version = 14 : i64} {
  func.func @_deg_kernel(%arg0: i32, %arg1: i32, %arg2: memref<32x10000xi32, #tpu.memory_space<hbm>>, %arg3: memref<1x80xi32, #tpu.memory_space<hbm>>, %arg4: memref<80x128xf32, #tpu.memory_space<hbm>>, %arg5: memref<2x80x128xf32, #tpu.memory_space<hbm>>, %arg6: memref<10000xi32, #tpu.memory_space<vmem>>, %arg7: memref<1x80xi32, #tpu.memory_space<vmem>>, %arg8: memref<80x128xf32, #tpu.memory_space<vmem>>, %arg9: memref<80x128xf32, #tpu.memory_space<vmem_shared>>) attributes {dimension_semantics = [#tpu.dimension_semantics<core_parallel>, #tpu.dimension_semantics<subcore_parallel>], iteration_bounds = array<i64: 2, 16>, scalar_prefetch = 0 : i64, scratch_operands = 4 : i64, tpu.core_type = #tpu.core_type<sc_vector_subcore>, window_params = [{transform_indices = #map}, {transform_indices = #map}, {transform_indices = #map}, {transform_indices = #map1}]} {
    %mul3A = arith.constant 2 : i32
    %mul3A_0 = arith.muli %arg1, %mul3A : i32
    %add3A = arith.addi %mul3A_0, %arg0 : i32
    "tpu.region"() ({
      %run_scoped3A_15 = tpu.sem_alloc : memref<!tpu.dma_semaphore, #tpu.memory_space<semaphore_mem>>
      tpu.enqueue_dma source(%arg3 : memref<1x80xi32, #tpu.memory_space<hbm>>) target(%arg7 : memref<1x80xi32, #tpu.memory_space<vmem>>) target_semaphore(%run_scoped3A_15 : memref<!tpu.dma_semaphore, #tpu.memory_space<semaphore_mem>>)
      tpu.wait_dma2 semaphore(%run_scoped3A_15 : memref<!tpu.dma_semaphore, #tpu.memory_space<semaphore_mem>>) src(%arg3 : memref<1x80xi32, #tpu.memory_space<hbm>>) dst(%arg7 : memref<1x80xi32, #tpu.memory_space<vmem>>)
      tpu.yield
    }) : () -> ()
    "tpu.region"() ({
      %run_scoped3A_15 = tpu.sem_alloc : memref<!tpu.dma_semaphore, #tpu.memory_space<semaphore_mem>>
      tpu.enqueue_dma source(%arg4 : memref<80x128xf32, #tpu.memory_space<hbm>>) target(%arg8 : memref<80x128xf32, #tpu.memory_space<vmem>>) target_semaphore(%run_scoped3A_15 : memref<!tpu.dma_semaphore, #tpu.memory_space<semaphore_mem>>)
      tpu.wait_dma2 semaphore(%run_scoped3A_15 : memref<!tpu.dma_semaphore, #tpu.memory_space<semaphore_mem>>) src(%arg4 : memref<80x128xf32, #tpu.memory_space<hbm>>) dst(%arg8 : memref<80x128xf32, #tpu.memory_space<vmem>>)
      tpu.yield
    }) : () -> ()
    "tpu.region"() ({
      %run_scoped3A_15 = tpu.sem_alloc : memref<!tpu.dma_semaphore, #tpu.memory_space<semaphore_mem>>
      %dma_start3A = arith.constant 0 : i32
      %dma_start3A_16 = tpu.memref_slice %arg2[%add3A, %dma_start3A] : memref<32x10000xi32, #tpu.memory_space<hbm>> -> memref<1x10000xi32, #tpu.memory_space<hbm>>
      %dma_start3A_17 = tpu.memref_squeeze %dma_start3A_16 : memref<1x10000xi32, #tpu.memory_space<hbm>> -> memref<10000xi32, #tpu.memory_space<hbm>>
      %dma_start3A_18 = arith.constant 0 : i32
      %dma_start3A_19 = tpu.memref_slice %arg2[%add3A, %dma_start3A_18] : memref<32x10000xi32, #tpu.memory_space<hbm>> -> memref<1x10000xi32, #tpu.memory_space<hbm>>
      %dma_start3A_20 = tpu.memref_squeeze %dma_start3A_19 : memref<1x10000xi32, #tpu.memory_space<hbm>> -> memref<10000xi32, #tpu.memory_space<hbm>>
      tpu.enqueue_dma source(%dma_start3A_20 : memref<10000xi32, #tpu.memory_space<hbm>>) target(%arg6 : memref<10000xi32, #tpu.memory_space<vmem>>) target_semaphore(%run_scoped3A_15 : memref<!tpu.dma_semaphore, #tpu.memory_space<semaphore_mem>>)
      %dma_wait3A = arith.constant 0 : i32
      %dma_wait3A_21 = tpu.memref_slice %arg2[%add3A, %dma_wait3A] : memref<32x10000xi32, #tpu.memory_space<hbm>> -> memref<1x10000xi32, #tpu.memory_space<hbm>>
      %dma_wait3A_22 = tpu.memref_squeeze %dma_wait3A_21 : memref<1x10000xi32, #tpu.memory_space<hbm>> -> memref<10000xi32, #tpu.memory_space<hbm>>
      %dma_wait3A_23 = arith.constant 0 : i32
      %dma_wait3A_24 = tpu.memref_slice %arg2[%add3A, %dma_wait3A_23] : memref<32x10000xi32, #tpu.memory_space<hbm>> -> memref<1x10000xi32, #tpu.memory_space<hbm>>
      %dma_wait3A_25 = tpu.memref_squeeze %dma_wait3A_24 : memref<1x10000xi32, #tpu.memory_space<hbm>> -> memref<10000xi32, #tpu.memory_space<hbm>>
      tpu.wait_dma2 semaphore(%run_scoped3A_15 : memref<!tpu.dma_semaphore, #tpu.memory_space<semaphore_mem>>) src(%dma_wait3A_25 : memref<10000xi32, #tpu.memory_space<hbm>>) dst(%arg6 : memref<10000xi32, #tpu.memory_space<vmem>>)
      tpu.yield
    }) : () -> ()
    %eq3A = arith.constant 0 : i32
    %eq3A_1 = arith.cmpi eq, %arg1, %eq3A : i32
    %convert_element_type3A = arith.extui %eq3A_1 : i1 to i32
    %cond3A = arith.constant 0 : i32
    %cond3A_2 = arith.cmpi ne, %convert_element_type3A, %cond3A : i32
    scf.if %cond3A_2 {
      "tpu.region"() ({
        %run_scoped3A_15 = tpu.sem_alloc : memref<!tpu.dma_semaphore, #tpu.memory_space<semaphore_mem>>
        tpu.enqueue_dma source(%arg4 : memref<80x128xf32, #tpu.memory_space<hbm>>) target(%arg9 : memref<80x128xf32, #tpu.memory_space<vmem_shared>>) target_semaphore(%run_scoped3A_15 : memref<!tpu.dma_semaphore, #tpu.memory_space<semaphore_mem>>)
        tpu.wait_dma2 semaphore(%run_scoped3A_15 : memref<!tpu.dma_semaphore, #tpu.memory_space<semaphore_mem>>) src(%arg4 : memref<80x128xf32, #tpu.memory_space<hbm>>) dst(%arg9 : memref<80x128xf32, #tpu.memory_space<vmem_shared>>)
        tpu.yield
      }) : () -> ()
    } else {
    }
    %broadcast_in_dim3A = arith.constant 1.000000e+00 : f32
    %broadcast_in_dim3A_3 = vector.broadcast %broadcast_in_dim3A : f32 to vector<16xf32>
    %scan3A = arith.constant 0 : i32
    %scan3A_4 = arith.constant 0 : i32
    %scan3A_5 = arith.constant 625 : i32
    %scan3A_6 = arith.addi %scan3A_4, %scan3A_5 : i32
    %scan3A_7 = arith.constant 1 : i32
    scf.for %scan3A_15 = %scan3A_4 to %scan3A_6 step %scan3A_7  : i32 {
      %mul3A_16 = arith.constant 16 : i32
      %mul3A_17 = arith.muli %scan3A_15, %mul3A_16 : i32
      %get3A = arith.index_cast %mul3A_17 : i32 to index
      %get3A_18 = tpu.vector_load %arg6[%get3A] {strides = array<i32>} : memref<10000xi32, #tpu.memory_space<vmem>>, vector<16xi32>,
      %shift_right_logical3A = arith.constant 7 : i32
      %shift_right_logical3A_19 = vector.broadcast %shift_right_logical3A : i32 to vector<16xi32>
      %shift_right_logical3A_20 = arith.shrui %get3A_18, %shift_right_logical3A_19 : vector<16xi32>
      %and3A = arith.constant 127 : i32
      %and3A_21 = vector.broadcast %and3A : i32 to vector<16xi32>
      %and3A_22 = arith.andi %get3A_18, %and3A_21 : vector<16xi32>
      tpu.vector_store_idx %arg8[%shift_right_logical3A_20, %and3A_22], %broadcast_in_dim3A_3 {add = true} : memref<80x128xf32, #tpu.memory_space<vmem>>[vector<16xi32>, vector<16xi32>], vector<16xf32>,
    }
    %scan3A_8 = arith.constant 625 : i32
    %barrier3A = arith.constant 0 : index
    tpu.barrier barrier_id(%barrier3A)
    %run_scoped3A = arith.constant 0 : i32
    "tpu.region"() ({
      %run_scoped3A_15 = tpu.sem_alloc : memref<!tpu.dma_semaphore, #tpu.memory_space<semaphore_mem>>
      %dma_start3A = arith.constant 0 : i32
      %dma_start3A_16 = tpu.memref_slice %arg7[%run_scoped3A, %dma_start3A] : memref<1x80xi32, #tpu.memory_space<vmem>> -> memref<1x80xi32, #tpu.memory_space<vmem>>
      %dma_start3A_17 = tpu.memref_squeeze %dma_start3A_16 : memref<1x80xi32, #tpu.memory_space<vmem>> -> memref<80xi32, #tpu.memory_space<vmem>>
      %dma_start3A_18 = arith.constant 0 : i32
      %dma_start3A_19 = arith.constant 0 : i32
      %dma_start3A_20 = tpu.memref_slice %arg9[%dma_start3A_18, %dma_start3A_19] : memref<80x128xf32, #tpu.memory_space<vmem_shared>> -> memref<80x128xf32, #tpu.memory_space<vmem_shared>>
      tpu.enqueue_indirect_dma source(%arg8 : memref<80x128xf32, #tpu.memory_space<vmem>>) target(%dma_start3A_20 : memref<80x128xf32, #tpu.memory_space<vmem_shared>>) offsets(%dma_start3A_17 : memref<80xi32, #tpu.memory_space<vmem>>) semaphore(%run_scoped3A_15 : memref<!tpu.dma_semaphore, #tpu.memory_space<semaphore_mem>>) {add = true}
      %dma_wait3A = arith.constant 0 : i32
      %dma_wait3A_21 = tpu.memref_slice %arg7[%run_scoped3A, %dma_wait3A] : memref<1x80xi32, #tpu.memory_space<vmem>> -> memref<1x80xi32, #tpu.memory_space<vmem>>
      %dma_wait3A_22 = tpu.memref_squeeze %dma_wait3A_21 : memref<1x80xi32, #tpu.memory_space<vmem>> -> memref<80xi32, #tpu.memory_space<vmem>>
      %dma_wait3A_23 = arith.constant 0 : i32
      %dma_wait3A_24 = arith.constant 0 : i32
      %dma_wait3A_25 = tpu.memref_slice %arg9[%dma_wait3A_23, %dma_wait3A_24] : memref<80x128xf32, #tpu.memory_space<vmem_shared>> -> memref<80x128xf32, #tpu.memory_space<vmem_shared>>
      tpu.wait_indirect_dma semaphore(%run_scoped3A_15 : memref<!tpu.dma_semaphore, #tpu.memory_space<semaphore_mem>>) src(%arg8 : memref<80x128xf32, #tpu.memory_space<vmem>>) dst(%dma_wait3A_25 : memref<80x128xf32, #tpu.memory_space<vmem_shared>>)
      tpu.yield
    }) : () -> ()
    %barrier3A_9 = arith.constant 0 : index
    tpu.barrier barrier_id(%barrier3A_9)
    %eq3A_10 = arith.constant 0 : i32
    %eq3A_11 = arith.cmpi eq, %arg1, %eq3A_10 : i32
    %convert_element_type3A_12 = arith.extui %eq3A_11 : i1 to i32
    %cond3A_13 = arith.constant 0 : i32
    %cond3A_14 = arith.cmpi ne, %convert_element_type3A_12, %cond3A_13 : i32
    scf.if %cond3A_14 {
      "tpu.region"() ({
        %run_scoped3A_15 = tpu.sem_alloc : memref<!tpu.dma_semaphore, #tpu.memory_space<semaphore_mem>>
        %dma_start3A = arith.constant 0 : i32
        %dma_start3A_16 = arith.constant 0 : i32
        %dma_start3A_17 = tpu.memref_slice %arg5[%arg0, %dma_start3A, %dma_start3A_16] : memref<2x80x128xf32, #tpu.memory_space<hbm>> -> memref<1x80x128xf32, #tpu.memory_space<hbm>>
        %dma_start3A_18 = tpu.memref_squeeze %dma_start3A_17 : memref<1x80x128xf32, #tpu.memory_space<hbm>> -> memref<80x128xf32, #tpu.memory_space<hbm>>
        tpu.enqueue_dma source(%arg9 : memref<80x128xf32, #tpu.memory_space<vmem_shared>>) target(%dma_start3A_18 : memref<80x128xf32, #tpu.memory_space<hbm>>) target_semaphore(%run_scoped3A_15 : memref<!tpu.dma_semaphore, #tpu.memory_space<semaphore_mem>>)
        %dma_wait3A = arith.constant 0 : i32
        %dma_wait3A_19 = arith.constant 0 : i32
        %dma_wait3A_20 = tpu.memref_slice %arg5[%arg0, %dma_wait3A, %dma_wait3A_19] : memref<2x80x128xf32, #tpu.memory_space<hbm>> -> memref<1x80x128xf32, #tpu.memory_space<hbm>>
        %dma_wait3A_21 = tpu.memref_squeeze %dma_wait3A_20 : memref<1x80x128xf32, #tpu.memory_space<hbm>> -> memref<80x128xf32, #tpu.memory_space<hbm>>
        tpu.wait_dma2 semaphore(%run_scoped3A_15 : memref<!tpu.dma_semaphore, #tpu.memory_space<semaphore_mem>>) src(%arg9 : memref<80x128xf32, #tpu.memory_space<vmem_shared>>) dst(%dma_wait3A_21 : memref<80x128xf32, #tpu.memory_space<hbm>>)
        tpu.yield
      }) : () -> ()
    } else {
    }
    return
  }
}

#map = affine_map<(d0, d1) -> (0, 0, 0)>
#map1 = affine_map<(d0, d1) -> (0, 0)>
module attributes {stable_mosaic.version = 14 : i64} {
  func.func @_edge_kernel(%arg0: i32, %arg1: i32, %arg2: memref<32x80x125xi32, #tpu.memory_space<hbm>>, %arg3: memref<32x80x125xi32, #tpu.memory_space<hbm>>, %arg4: memref<10000x128xf32, #tpu.memory_space<hbm>>, %arg5: memref<632x128xf32, #tpu.memory_space<hbm>>, %arg6: memref<2x10112x128xf32, #tpu.memory_space<hbm>>, %arg7: memref<40x125xi32, #tpu.memory_space<vmem>>, %arg8: memref<40x125xi32, #tpu.memory_space<vmem>>, %arg9: memref<2x125x128xf32, #tpu.memory_space<vmem>>, %arg10: memref<!tpu.dma_semaphore, #tpu.memory_space<semaphore_mem>>, %arg11: memref<!tpu.dma_semaphore, #tpu.memory_space<semaphore_mem>>, %arg12: memref<10112x128xf32, #tpu.memory_space<vmem_shared>>) attributes {dimension_semantics = [#tpu.dimension_semantics<core_parallel>, #tpu.dimension_semantics<subcore_parallel>], iteration_bounds = array<i64: 2, 16>, scalar_prefetch = 0 : i64, scratch_operands = 6 : i64, tpu.core_type = #tpu.core_type<sc_vector_subcore>, window_params = [{transform_indices = #map}, {transform_indices = #map}, {transform_indices = #map1}, {transform_indices = #map1}, {transform_indices = #map}]} {
    %mul3A = arith.constant 2 : i32
    %mul3A_0 = arith.muli %arg1, %mul3A : i32
    %add3A = arith.addi %mul3A_0, %arg0 : i32
    %mul3A_1 = arith.constant 632 : i32
    %mul3A_2 = arith.muli %arg1, %mul3A_1 : i32
    "tpu.region"() ({
      %run_scoped3A = tpu.sem_alloc : memref<!tpu.dma_semaphore, #tpu.memory_space<semaphore_mem>>
      %dma_start3A_66 = arith.constant 0 : i32
      %dma_start3A_67 = tpu.memref_slice %arg12[%mul3A_2, %dma_start3A_66] : memref<10112x128xf32, #tpu.memory_space<vmem_shared>> -> memref<632x128xf32, #tpu.memory_space<vmem_shared>>
      tpu.enqueue_dma source(%arg5 : memref<632x128xf32, #tpu.memory_space<hbm>>) target(%dma_start3A_67 : memref<632x128xf32, #tpu.memory_space<vmem_shared>>) target_semaphore(%run_scoped3A : memref<!tpu.dma_semaphore, #tpu.memory_space<semaphore_mem>>)
      %dma_wait3A = arith.constant 0 : i32
      %dma_wait3A_68 = tpu.memref_slice %arg12[%mul3A_2, %dma_wait3A] : memref<10112x128xf32, #tpu.memory_space<vmem_shared>> -> memref<632x128xf32, #tpu.memory_space<vmem_shared>>
      tpu.wait_dma2 semaphore(%run_scoped3A : memref<!tpu.dma_semaphore, #tpu.memory_space<semaphore_mem>>) src(%arg5 : memref<632x128xf32, #tpu.memory_space<hbm>>) dst(%dma_wait3A_68 : memref<632x128xf32, #tpu.memory_space<vmem_shared>>)
      tpu.yield
    }) : () -> ()
    %barrier3A = arith.constant 0 : index
    tpu.barrier barrier_id(%barrier3A)
    "tpu.region"() ({
      %run_scoped3A = tpu.sem_alloc : memref<!tpu.dma_semaphore, #tpu.memory_space<semaphore_mem>>
      %dma_start3A_66 = arith.constant 0 : i32
      %dma_start3A_67 = arith.constant 0 : i32
      %dma_start3A_68 = tpu.memref_slice %arg3[%add3A, %dma_start3A_66, %dma_start3A_67] : memref<32x80x125xi32, #tpu.memory_space<hbm>> -> memref<1x40x125xi32, #tpu.memory_space<hbm>>
      %dma_start3A_69 = tpu.memref_squeeze %dma_start3A_68 : memref<1x40x125xi32, #tpu.memory_space<hbm>> -> memref<40x125xi32, #tpu.memory_space<hbm>>
      %dma_start3A_70 = arith.constant 0 : i32
      %dma_start3A_71 = arith.constant 0 : i32
      %dma_start3A_72 = tpu.memref_slice %arg3[%add3A, %dma_start3A_70, %dma_start3A_71] : memref<32x80x125xi32, #tpu.memory_space<hbm>> -> memref<1x40x125xi32, #tpu.memory_space<hbm>>
      %dma_start3A_73 = tpu.memref_squeeze %dma_start3A_72 : memref<1x40x125xi32, #tpu.memory_space<hbm>> -> memref<40x125xi32, #tpu.memory_space<hbm>>
      tpu.enqueue_dma source(%dma_start3A_73 : memref<40x125xi32, #tpu.memory_space<hbm>>) target(%arg7 : memref<40x125xi32, #tpu.memory_space<vmem>>) target_semaphore(%run_scoped3A : memref<!tpu.dma_semaphore, #tpu.memory_space<semaphore_mem>>)
      %dma_wait3A = arith.constant 0 : i32
      %dma_wait3A_74 = arith.constant 0 : i32
      %dma_wait3A_75 = tpu.memref_slice %arg3[%add3A, %dma_wait3A, %dma_wait3A_74] : memref<32x80x125xi32, #tpu.memory_space<hbm>> -> memref<1x40x125xi32, #tpu.memory_space<hbm>>
      %dma_wait3A_76 = tpu.memref_squeeze %dma_wait3A_75 : memref<1x40x125xi32, #tpu.memory_space<hbm>> -> memref<40x125xi32, #tpu.memory_space<hbm>>
      %dma_wait3A_77 = arith.constant 0 : i32
      %dma_wait3A_78 = arith.constant 0 : i32
      %dma_wait3A_79 = tpu.memref_slice %arg3[%add3A, %dma_wait3A_77, %dma_wait3A_78] : memref<32x80x125xi32, #tpu.memory_space<hbm>> -> memref<1x40x125xi32, #tpu.memory_space<hbm>>
      %dma_wait3A_80 = tpu.memref_squeeze %dma_wait3A_79 : memref<1x40x125xi32, #tpu.memory_space<hbm>> -> memref<40x125xi32, #tpu.memory_space<hbm>>
      tpu.wait_dma2 semaphore(%run_scoped3A : memref<!tpu.dma_semaphore, #tpu.memory_space<semaphore_mem>>) src(%dma_wait3A_80 : memref<40x125xi32, #tpu.memory_space<hbm>>) dst(%arg7 : memref<40x125xi32, #tpu.memory_space<vmem>>)
      tpu.yield
    }) : () -> ()
    "tpu.region"() ({
      %run_scoped3A = tpu.sem_alloc : memref<!tpu.dma_semaphore, #tpu.memory_space<semaphore_mem>>
      %dma_start3A_66 = arith.constant 0 : i32
      %dma_start3A_67 = arith.constant 0 : i32
      %dma_start3A_68 = tpu.memref_slice %arg2[%add3A, %dma_start3A_66, %dma_start3A_67] : memref<32x80x125xi32, #tpu.memory_space<hbm>> -> memref<1x40x125xi32, #tpu.memory_space<hbm>>
      %dma_start3A_69 = tpu.memref_squeeze %dma_start3A_68 : memref<1x40x125xi32, #tpu.memory_space<hbm>> -> memref<40x125xi32, #tpu.memory_space<hbm>>
      %dma_start3A_70 = arith.constant 0 : i32
      %dma_start3A_71 = arith.constant 0 : i32
      %dma_start3A_72 = tpu.memref_slice %arg2[%add3A, %dma_start3A_70, %dma_start3A_71] : memref<32x80x125xi32, #tpu.memory_space<hbm>> -> memref<1x40x125xi32, #tpu.memory_space<hbm>>
      %dma_start3A_73 = tpu.memref_squeeze %dma_start3A_72 : memref<1x40x125xi32, #tpu.memory_space<hbm>> -> memref<40x125xi32, #tpu.memory_space<hbm>>
      tpu.enqueue_dma source(%dma_start3A_73 : memref<40x125xi32, #tpu.memory_space<hbm>>) target(%arg8 : memref<40x125xi32, #tpu.memory_space<vmem>>) target_semaphore(%run_scoped3A : memref<!tpu.dma_semaphore, #tpu.memory_space<semaphore_mem>>)
      %dma_wait3A = arith.constant 0 : i32
      %dma_wait3A_74 = arith.constant 0 : i32
      %dma_wait3A_75 = tpu.memref_slice %arg2[%add3A, %dma_wait3A, %dma_wait3A_74] : memref<32x80x125xi32, #tpu.memory_space<hbm>> -> memref<1x40x125xi32, #tpu.memory_space<hbm>>
      %dma_wait3A_76 = tpu.memref_squeeze %dma_wait3A_75 : memref<1x40x125xi32, #tpu.memory_space<hbm>> -> memref<40x125xi32, #tpu.memory_space<hbm>>
      %dma_wait3A_77 = arith.constant 0 : i32
      %dma_wait3A_78 = arith.constant 0 : i32
      %dma_wait3A_79 = tpu.memref_slice %arg2[%add3A, %dma_wait3A_77, %dma_wait3A_78] : memref<32x80x125xi32, #tpu.memory_space<hbm>> -> memref<1x40x125xi32, #tpu.memory_space<hbm>>
      %dma_wait3A_80 = tpu.memref_squeeze %dma_wait3A_79 : memref<1x40x125xi32, #tpu.memory_space<hbm>> -> memref<40x125xi32, #tpu.memory_space<hbm>>
      tpu.wait_dma2 semaphore(%run_scoped3A : memref<!tpu.dma_semaphore, #tpu.memory_space<semaphore_mem>>) src(%dma_wait3A_80 : memref<40x125xi32, #tpu.memory_space<hbm>>) dst(%arg8 : memref<40x125xi32, #tpu.memory_space<vmem>>)
      tpu.yield
    }) : () -> ()
    %dma_start3A = arith.constant 0 : i32
    %dma_start3A_3 = arith.constant 0 : i32
    %dma_start3A_4 = arith.constant 0 : i32
    %dma_start3A_5 = arith.constant 0 : i32
    %dma_start3A_6 = tpu.memref_slice %arg9[%dma_start3A_3, %dma_start3A_4, %dma_start3A_5] : memref<2x125x128xf32, #tpu.memory_space<vmem>> -> memref<1x125x128xf32, #tpu.memory_space<vmem>>
    %dma_start3A_7 = tpu.memref_squeeze %dma_start3A_6 : memref<1x125x128xf32, #tpu.memory_space<vmem>> -> memref<125x128xf32, #tpu.memory_space<vmem>>
    %dma_start3A_8 = arith.constant 0 : i32
    %dma_start3A_9 = tpu.memref_slice %arg8[%dma_start3A, %dma_start3A_8] : memref<40x125xi32, #tpu.memory_space<vmem>> -> memref<1x125xi32, #tpu.memory_space<vmem>>
    %dma_start3A_10 = tpu.memref_squeeze %dma_start3A_9 : memref<1x125xi32, #tpu.memory_space<vmem>> -> memref<125xi32, #tpu.memory_space<vmem>>
    %dma_start3A_11 = arith.constant 0 : i32
    %dma_start3A_12 = arith.constant 0 : i32
    %dma_start3A_13 = tpu.memref_slice %arg4[%dma_start3A_11, %dma_start3A_12] : memref<10000x128xf32, #tpu.memory_space<hbm>> -> memref<10000x128xf32, #tpu.memory_space<hbm>>
    tpu.enqueue_indirect_dma source(%dma_start3A_13 : memref<10000x128xf32, #tpu.memory_space<hbm>>) target(%dma_start3A_7 : memref<125x128xf32, #tpu.memory_space<vmem>>) offsets(%dma_start3A_10 : memref<125xi32, #tpu.memory_space<vmem>>) semaphore(%arg10 : memref<!tpu.dma_semaphore, #tpu.memory_space<semaphore_mem>>)
    %dma_start3A_14 = arith.constant 1 : i32
    %dma_start3A_15 = arith.constant 1 : i32
    %dma_start3A_16 = arith.constant 0 : i32
    %dma_start3A_17 = arith.constant 0 : i32
    %dma_start3A_18 = tpu.memref_slice %arg9[%dma_start3A_15, %dma_start3A_16, %dma_start3A_17] : memref<2x125x128xf32, #tpu.memory_space<vmem>> -> memref<1x125x128xf32, #tpu.memory_space<vmem>>
    %dma_start3A_19 = tpu.memref_squeeze %dma_start3A_18 : memref<1x125x128xf32, #tpu.memory_space<vmem>> -> memref<125x128xf32, #tpu.memory_space<vmem>>
    %dma_start3A_20 = arith.constant 0 : i32
    %dma_start3A_21 = tpu.memref_slice %arg8[%dma_start3A_14, %dma_start3A_20] : memref<40x125xi32, #tpu.memory_space<vmem>> -> memref<1x125xi32, #tpu.memory_space<vmem>>
    %dma_start3A_22 = tpu.memref_squeeze %dma_start3A_21 : memref<1x125xi32, #tpu.memory_space<vmem>> -> memref<125xi32, #tpu.memory_space<vmem>>
    %dma_start3A_23 = arith.constant 0 : i32
    %dma_start3A_24 = arith.constant 0 : i32
    %dma_start3A_25 = tpu.memref_slice %arg4[%dma_start3A_23, %dma_start3A_24] : memref<10000x128xf32, #tpu.memory_space<hbm>> -> memref<10000x128xf32, #tpu.memory_space<hbm>>
    tpu.enqueue_indirect_dma source(%dma_start3A_25 : memref<10000x128xf32, #tpu.memory_space<hbm>>) target(%dma_start3A_19 : memref<125x128xf32, #tpu.memory_space<vmem>>) offsets(%dma_start3A_22 : memref<125xi32, #tpu.memory_space<vmem>>) semaphore(%arg11 : memref<!tpu.dma_semaphore, #tpu.memory_space<semaphore_mem>>)
    %scan3A = arith.constant 0 : i32
    %scan3A_26 = arith.constant 0 : i32
    %scan3A_27 = arith.constant 20 : i32
    %scan3A_28 = arith.addi %scan3A_26, %scan3A_27 : i32
    %scan3A_29 = arith.constant 1 : i32
    scf.for %scan3A_66 = %scan3A_26 to %scan3A_28 step %scan3A_29  : i32 {
      %mul3A_67 = arith.constant 2 : i32
      %mul3A_68 = arith.muli %scan3A_66, %mul3A_67 : i32
      %add3A_69 = arith.constant 0 : i32
      %add3A_70 = arith.addi %mul3A_68, %add3A_69 : i32
      %dma_wait3A = arith.constant 0 : i32
      %dma_wait3A_71 = arith.constant 0 : i32
      %dma_wait3A_72 = arith.constant 0 : i32
      %dma_wait3A_73 = tpu.memref_slice %arg9[%dma_wait3A, %dma_wait3A_71, %dma_wait3A_72] : memref<2x125x128xf32, #tpu.memory_space<vmem>> -> memref<1x125x128xf32, #tpu.memory_space<vmem>>
      %dma_wait3A_74 = tpu.memref_squeeze %dma_wait3A_73 : memref<1x125x128xf32, #tpu.memory_space<vmem>> -> memref<125x128xf32, #tpu.memory_space<vmem>>
      %dma_wait3A_75 = arith.constant 0 : i32
      %dma_wait3A_76 = tpu.memref_slice %arg8[%add3A_70, %dma_wait3A_75] : memref<40x125xi32, #tpu.memory_space<vmem>> -> memref<1x125xi32, #tpu.memory_space<vmem>>
      %dma_wait3A_77 = tpu.memref_squeeze %dma_wait3A_76 : memref<1x125xi32, #tpu.memory_space<vmem>> -> memref<125xi32, #tpu.memory_space<vmem>>
      %dma_wait3A_78 = arith.constant 0 : i32
      %dma_wait3A_79 = arith.constant 0 : i32
      %dma_wait3A_80 = tpu.memref_slice %arg4[%dma_wait3A_78, %dma_wait3A_79] : memref<10000x128xf32, #tpu.memory_space<hbm>> -> memref<10000x128xf32, #tpu.memory_space<hbm>>
      tpu.wait_indirect_dma semaphore(%arg10 : memref<!tpu.dma_semaphore, #tpu.memory_space<semaphore_mem>>) src(%dma_wait3A_80 : memref<10000x128xf32, #tpu.memory_space<hbm>>) dst(%dma_wait3A_74 : memref<125x128xf32, #tpu.memory_space<vmem>>)
      %run_scoped3A = arith.constant 0 : i32
      "tpu.region"() ({
        %run_scoped3A_108 = tpu.sem_alloc : memref<!tpu.dma_semaphore, #tpu.memory_space<semaphore_mem>>
        %dma_start3A_109 = arith.constant 0 : i32
        %dma_start3A_110 = arith.constant 0 : i32
        %dma_start3A_111 = tpu.memref_slice %arg9[%run_scoped3A, %dma_start3A_109, %dma_start3A_110] : memref<2x125x128xf32, #tpu.memory_space<vmem>> -> memref<1x125x128xf32, #tpu.memory_space<vmem>>
        %dma_start3A_112 = tpu.memref_squeeze %dma_start3A_111 : memref<1x125x128xf32, #tpu.memory_space<vmem>> -> memref<125x128xf32, #tpu.memory_space<vmem>>
        %dma_start3A_113 = arith.constant 0 : i32
        %dma_start3A_114 = tpu.memref_slice %arg7[%add3A_70, %dma_start3A_113] : memref<40x125xi32, #tpu.memory_space<vmem>> -> memref<1x125xi32, #tpu.memory_space<vmem>>
        %dma_start3A_115 = tpu.memref_squeeze %dma_start3A_114 : memref<1x125xi32, #tpu.memory_space<vmem>> -> memref<125xi32, #tpu.memory_space<vmem>>
        %dma_start3A_116 = arith.constant 0 : i32
        %dma_start3A_117 = arith.constant 0 : i32
        %dma_start3A_118 = tpu.memref_slice %arg12[%dma_start3A_116, %dma_start3A_117] : memref<10112x128xf32, #tpu.memory_space<vmem_shared>> -> memref<10112x128xf32, #tpu.memory_space<vmem_shared>>
        tpu.enqueue_indirect_dma source(%dma_start3A_112 : memref<125x128xf32, #tpu.memory_space<vmem>>) target(%dma_start3A_118 : memref<10112x128xf32, #tpu.memory_space<vmem_shared>>) offsets(%dma_start3A_115 : memref<125xi32, #tpu.memory_space<vmem>>) semaphore(%run_scoped3A_108 : memref<!tpu.dma_semaphore, #tpu.memory_space<semaphore_mem>>) {add = true}
        %dma_wait3A_119 = arith.constant 0 : i32
        %dma_wait3A_120 = arith.constant 0 : i32
        %dma_wait3A_121 = tpu.memref_slice %arg9[%run_scoped3A, %dma_wait3A_119, %dma_wait3A_120] : memref<2x125x128xf32, #tpu.memory_space<vmem>> -> memref<1x125x128xf32, #tpu.memory_space<vmem>>
        %dma_wait3A_122 = tpu.memref_squeeze %dma_wait3A_121 : memref<1x125x128xf32, #tpu.memory_space<vmem>> -> memref<125x128xf32, #tpu.memory_space<vmem>>
        %dma_wait3A_123 = arith.constant 0 : i32
        %dma_wait3A_124 = tpu.memref_slice %arg7[%add3A_70, %dma_wait3A_123] : memref<40x125xi32, #tpu.memory_space<vmem>> -> memref<1x125xi32, #tpu.memory_space<vmem>>
        %dma_wait3A_125 = tpu.memref_squeeze %dma_wait3A_124 : memref<1x125xi32, #tpu.memory_space<vmem>> -> memref<125xi32, #tpu.memory_space<vmem>>
        %dma_wait3A_126 = arith.constant 0 : i32
        %dma_wait3A_127 = arith.constant 0 : i32
        %dma_wait3A_128 = tpu.memref_slice %arg12[%dma_wait3A_126, %dma_wait3A_127] : memref<10112x128xf32, #tpu.memory_space<vmem_shared>> -> memref<10112x128xf32, #tpu.memory_space<vmem_shared>>
        tpu.wait_indirect_dma semaphore(%run_scoped3A_108 : memref<!tpu.dma_semaphore, #tpu.memory_space<semaphore_mem>>) src(%dma_wait3A_122 : memref<125x128xf32, #tpu.memory_space<vmem>>) dst(%dma_wait3A_128 : memref<10112x128xf32, #tpu.memory_space<vmem_shared>>)
        tpu.yield
      }) : () -> ()
      %add3A_81 = arith.constant 2 : i32
      %add3A_82 = arith.addi %add3A_70, %add3A_81 : i32
      %lt3A = arith.constant 40 : i32
      %lt3A_83 = arith.cmpi slt, %add3A_82, %lt3A : i32
      %convert_element_type3A = arith.extui %lt3A_83 : i1 to i32
      %cond3A = arith.constant 0 : i32
      %cond3A_84 = arith.cmpi ne, %convert_element_type3A, %cond3A : i32
      scf.if %cond3A_84 {
        %add3A_108 = arith.constant 2 : i32
        %add3A_109 = arith.addi %add3A_70, %add3A_108 : i32
        %dma_start3A_110 = arith.constant 0 : i32
        %dma_start3A_111 = arith.constant 0 : i32
        %dma_start3A_112 = arith.constant 0 : i32
        %dma_start3A_113 = tpu.memref_slice %arg9[%dma_start3A_110, %dma_start3A_111, %dma_start3A_112] : memref<2x125x128xf32, #tpu.memory_space<vmem>> -> memref<1x125x128xf32, #tpu.memory_space<vmem>>
        %dma_start3A_114 = tpu.memref_squeeze %dma_start3A_113 : memref<1x125x128xf32, #tpu.memory_space<vmem>> -> memref<125x128xf32, #tpu.memory_space<vmem>>
        %dma_start3A_115 = arith.constant 0 : i32
        %dma_start3A_116 = tpu.memref_slice %arg8[%add3A_109, %dma_start3A_115] : memref<40x125xi32, #tpu.memory_space<vmem>> -> memref<1x125xi32, #tpu.memory_space<vmem>>
        %dma_start3A_117 = tpu.memref_squeeze %dma_start3A_116 : memref<1x125xi32, #tpu.memory_space<vmem>> -> memref<125xi32, #tpu.memory_space<vmem>>
        %dma_start3A_118 = arith.constant 0 : i32
        %dma_start3A_119 = arith.constant 0 : i32
        %dma_start3A_120 = tpu.memref_slice %arg4[%dma_start3A_118, %dma_start3A_119] : memref<10000x128xf32, #tpu.memory_space<hbm>> -> memref<10000x128xf32, #tpu.memory_space<hbm>>
        tpu.enqueue_indirect_dma source(%dma_start3A_120 : memref<10000x128xf32, #tpu.memory_space<hbm>>) target(%dma_start3A_114 : memref<125x128xf32, #tpu.memory_space<vmem>>) offsets(%dma_start3A_117 : memref<125xi32, #tpu.memory_space<vmem>>) semaphore(%arg10 : memref<!tpu.dma_semaphore, #tpu.memory_space<semaphore_mem>>)
      } else {
      }
      %mul3A_85 = arith.constant 2 : i32
      %mul3A_86 = arith.muli %scan3A_66, %mul3A_85 : i32
      %add3A_87 = arith.constant 1 : i32
      %add3A_88 = arith.addi %mul3A_86, %add3A_87 : i32
      %dma_wait3A_89 = arith.constant 1 : i32
      %dma_wait3A_90 = arith.constant 0 : i32
      %dma_wait3A_91 = arith.constant 0 : i32
      %dma_wait3A_92 = tpu.memref_slice %arg9[%dma_wait3A_89, %dma_wait3A_90, %dma_wait3A_91] : memref<2x125x128xf32, #tpu.memory_space<vmem>> -> memref<1x125x128xf32, #tpu.memory_space<vmem>>
      %dma_wait3A_93 = tpu.memref_squeeze %dma_wait3A_92 : memref<1x125x128xf32, #tpu.memory_space<vmem>> -> memref<125x128xf32, #tpu.memory_space<vmem>>
      %dma_wait3A_94 = arith.constant 0 : i32
      %dma_wait3A_95 = tpu.memref_slice %arg8[%add3A_88, %dma_wait3A_94] : memref<40x125xi32, #tpu.memory_space<vmem>> -> memref<1x125xi32, #tpu.memory_space<vmem>>
      %dma_wait3A_96 = tpu.memref_squeeze %dma_wait3A_95 : memref<1x125xi32, #tpu.memory_space<vmem>> -> memref<125xi32, #tpu.memory_space<vmem>>
      %dma_wait3A_97 = arith.constant 0 : i32
      %dma_wait3A_98 = arith.constant 0 : i32
      %dma_wait3A_99 = tpu.memref_slice %arg4[%dma_wait3A_97, %dma_wait3A_98] : memref<10000x128xf32, #tpu.memory_space<hbm>> -> memref<10000x128xf32, #tpu.memory_space<hbm>>
      tpu.wait_indirect_dma semaphore(%arg11 : memref<!tpu.dma_semaphore, #tpu.memory_space<semaphore_mem>>) src(%dma_wait3A_99 : memref<10000x128xf32, #tpu.memory_space<hbm>>) dst(%dma_wait3A_93 : memref<125x128xf32, #tpu.memory_space<vmem>>)
      %run_scoped3A_100 = arith.constant 1 : i32
      "tpu.region"() ({
        %run_scoped3A_108 = tpu.sem_alloc : memref<!tpu.dma_semaphore, #tpu.memory_space<semaphore_mem>>
        %dma_start3A_109 = arith.constant 0 : i32
        %dma_start3A_110 = arith.constant 0 : i32
        %dma_start3A_111 = tpu.memref_slice %arg9[%run_scoped3A_100, %dma_start3A_109, %dma_start3A_110] : memref<2x125x128xf32, #tpu.memory_space<vmem>> -> memref<1x125x128xf32, #tpu.memory_space<vmem>>
        %dma_start3A_112 = tpu.memref_squeeze %dma_start3A_111 : memref<1x125x128xf32, #tpu.memory_space<vmem>> -> memref<125x128xf32, #tpu.memory_space<vmem>>
        %dma_start3A_113 = arith.constant 0 : i32
        %dma_start3A_114 = tpu.memref_slice %arg7[%add3A_88, %dma_start3A_113] : memref<40x125xi32, #tpu.memory_space<vmem>> -> memref<1x125xi32, #tpu.memory_space<vmem>>
        %dma_start3A_115 = tpu.memref_squeeze %dma_start3A_114 : memref<1x125xi32, #tpu.memory_space<vmem>> -> memref<125xi32, #tpu.memory_space<vmem>>
        %dma_start3A_116 = arith.constant 0 : i32
        %dma_start3A_117 = arith.constant 0 : i32
        %dma_start3A_118 = tpu.memref_slice %arg12[%dma_start3A_116, %dma_start3A_117] : memref<10112x128xf32, #tpu.memory_space<vmem_shared>> -> memref<10112x128xf32, #tpu.memory_space<vmem_shared>>
        tpu.enqueue_indirect_dma source(%dma_start3A_112 : memref<125x128xf32, #tpu.memory_space<vmem>>) target(%dma_start3A_118 : memref<10112x128xf32, #tpu.memory_space<vmem_shared>>) offsets(%dma_start3A_115 : memref<125xi32, #tpu.memory_space<vmem>>) semaphore(%run_scoped3A_108 : memref<!tpu.dma_semaphore, #tpu.memory_space<semaphore_mem>>) {add = true}
        %dma_wait3A_119 = arith.constant 0 : i32
        %dma_wait3A_120 = arith.constant 0 : i32
        %dma_wait3A_121 = tpu.memref_slice %arg9[%run_scoped3A_100, %dma_wait3A_119, %dma_wait3A_120] : memref<2x125x128xf32, #tpu.memory_space<vmem>> -> memref<1x125x128xf32, #tpu.memory_space<vmem>>
        %dma_wait3A_122 = tpu.memref_squeeze %dma_wait3A_121 : memref<1x125x128xf32, #tpu.memory_space<vmem>> -> memref<125x128xf32, #tpu.memory_space<vmem>>
        %dma_wait3A_123 = arith.constant 0 : i32
        %dma_wait3A_124 = tpu.memref_slice %arg7[%add3A_88, %dma_wait3A_123] : memref<40x125xi32, #tpu.memory_space<vmem>> -> memref<1x125xi32, #tpu.memory_space<vmem>>
        %dma_wait3A_125 = tpu.memref_squeeze %dma_wait3A_124 : memref<1x125xi32, #tpu.memory_space<vmem>> -> memref<125xi32, #tpu.memory_space<vmem>>
        %dma_wait3A_126 = arith.constant 0 : i32
        %dma_wait3A_127 = arith.constant 0 : i32
        %dma_wait3A_128 = tpu.memref_slice %arg12[%dma_wait3A_126, %dma_wait3A_127] : memref<10112x128xf32, #tpu.memory_space<vmem_shared>> -> memref<10112x128xf32, #tpu.memory_space<vmem_shared>>
        tpu.wait_indirect_dma semaphore(%run_scoped3A_108 : memref<!tpu.dma_semaphore, #tpu.memory_space<semaphore_mem>>) src(%dma_wait3A_122 : memref<125x128xf32, #tpu.memory_space<vmem>>) dst(%dma_wait3A_128 : memref<10112x128xf32, #tpu.memory_space<vmem_shared>>)
        tpu.yield
      }) : () -> ()
      %add3A_101 = arith.constant 2 : i32
      %add3A_102 = arith.addi %add3A_88, %add3A_101 : i32
      %lt3A_103 = arith.constant 40 : i32
      %lt3A_104 = arith.cmpi slt, %add3A_102, %lt3A_103 : i32
      %convert_element_type3A_105 = arith.extui %lt3A_104 : i1 to i32
      %cond3A_106 = arith.constant 0 : i32
      %cond3A_107 = arith.cmpi ne, %convert_element_type3A_105, %cond3A_106 : i32
      scf.if %cond3A_107 {
        %add3A_108 = arith.constant 2 : i32
        %add3A_109 = arith.addi %add3A_88, %add3A_108 : i32
        %dma_start3A_110 = arith.constant 1 : i32
        %dma_start3A_111 = arith.constant 0 : i32
        %dma_start3A_112 = arith.constant 0 : i32
        %dma_start3A_113 = tpu.memref_slice %arg9[%dma_start3A_110, %dma_start3A_111, %dma_start3A_112] : memref<2x125x128xf32, #tpu.memory_space<vmem>> -> memref<1x125x128xf32, #tpu.memory_space<vmem>>
        %dma_start3A_114 = tpu.memref_squeeze %dma_start3A_113 : memref<1x125x128xf32, #tpu.memory_space<vmem>> -> memref<125x128xf32, #tpu.memory_space<vmem>>
        %dma_start3A_115 = arith.constant 0 : i32
        %dma_start3A_116 = tpu.memref_slice %arg8[%add3A_109, %dma_start3A_115] : memref<40x125xi32, #tpu.memory_space<vmem>> -> memref<1x125xi32, #tpu.memory_space<vmem>>
        %dma_start3A_117 = tpu.memref_squeeze %dma_start3A_116 : memref<1x125xi32, #tpu.memory_space<vmem>> -> memref<125xi32, #tpu.memory_space<vmem>>
        %dma_start3A_118 = arith.constant 0 : i32
        %dma_start3A_119 = arith.constant 0 : i32
        %dma_start3A_120 = tpu.memref_slice %arg4[%dma_start3A_118, %dma_start3A_119] : memref<10000x128xf32, #tpu.memory_space<hbm>> -> memref<10000x128xf32, #tpu.memory_space<hbm>>
        tpu.enqueue_indirect_dma source(%dma_start3A_120 : memref<10000x128xf32, #tpu.memory_space<hbm>>) target(%dma_start3A_114 : memref<125x128xf32, #tpu.memory_space<vmem>>) offsets(%dma_start3A_117 : memref<125xi32, #tpu.memory_space<vmem>>) semaphore(%arg11 : memref<!tpu.dma_semaphore, #tpu.memory_space<semaphore_mem>>)
      } else {
      }
    }
    %scan3A_30 = arith.constant 20 : i32
    "tpu.region"() ({
      %run_scoped3A = tpu.sem_alloc : memref<!tpu.dma_semaphore, #tpu.memory_space<semaphore_mem>>
      %dma_start3A_66 = arith.constant 40 : i32
      %dma_start3A_67 = arith.constant 0 : i32
      %dma_start3A_68 = tpu.memref_slice %arg3[%add3A, %dma_start3A_66, %dma_start3A_67] : memref<32x80x125xi32, #tpu.memory_space<hbm>> -> memref<1x40x125xi32, #tpu.memory_space<hbm>>
      %dma_start3A_69 = tpu.memref_squeeze %dma_start3A_68 : memref<1x40x125xi32, #tpu.memory_space<hbm>> -> memref<40x125xi32, #tpu.memory_space<hbm>>
      %dma_start3A_70 = arith.constant 40 : i32
      %dma_start3A_71 = arith.constant 0 : i32
      %dma_start3A_72 = tpu.memref_slice %arg3[%add3A, %dma_start3A_70, %dma_start3A_71] : memref<32x80x125xi32, #tpu.memory_space<hbm>> -> memref<1x40x125xi32, #tpu.memory_space<hbm>>
      %dma_start3A_73 = tpu.memref_squeeze %dma_start3A_72 : memref<1x40x125xi32, #tpu.memory_space<hbm>> -> memref<40x125xi32, #tpu.memory_space<hbm>>
      tpu.enqueue_dma source(%dma_start3A_73 : memref<40x125xi32, #tpu.memory_space<hbm>>) target(%arg7 : memref<40x125xi32, #tpu.memory_space<vmem>>) target_semaphore(%run_scoped3A : memref<!tpu.dma_semaphore, #tpu.memory_space<semaphore_mem>>)
      %dma_wait3A = arith.constant 40 : i32
      %dma_wait3A_74 = arith.constant 0 : i32
      %dma_wait3A_75 = tpu.memref_slice %arg3[%add3A, %dma_wait3A, %dma_wait3A_74] : memref<32x80x125xi32, #tpu.memory_space<hbm>> -> memref<1x40x125xi32, #tpu.memory_space<hbm>>
      %dma_wait3A_76 = tpu.memref_squeeze %dma_wait3A_75 : memref<1x40x125xi32, #tpu.memory_space<hbm>> -> memref<40x125xi32, #tpu.memory_space<hbm>>
      %dma_wait3A_77 = arith.constant 40 : i32
      %dma_wait3A_78 = arith.constant 0 : i32
      %dma_wait3A_79 = tpu.memref_slice %arg3[%add3A, %dma_wait3A_77, %dma_wait3A_78] : memref<32x80x125xi32, #tpu.memory_space<hbm>> -> memref<1x40x125xi32, #tpu.memory_space<hbm>>
      %dma_wait3A_80 = tpu.memref_squeeze %dma_wait3A_79 : memref<1x40x125xi32, #tpu.memory_space<hbm>> -> memref<40x125xi32, #tpu.memory_space<hbm>>
      tpu.wait_dma2 semaphore(%run_scoped3A : memref<!tpu.dma_semaphore, #tpu.memory_space<semaphore_mem>>) src(%dma_wait3A_80 : memref<40x125xi32, #tpu.memory_space<hbm>>) dst(%arg7 : memref<40x125xi32, #tpu.memory_space<vmem>>)
      tpu.yield
    }) : () -> ()
    "tpu.region"() ({
      %run_scoped3A = tpu.sem_alloc : memref<!tpu.dma_semaphore, #tpu.memory_space<semaphore_mem>>
      %dma_start3A_66 = arith.constant 40 : i32
      %dma_start3A_67 = arith.constant 0 : i32
      %dma_start3A_68 = tpu.memref_slice %arg2[%add3A, %dma_start3A_66, %dma_start3A_67] : memref<32x80x125xi32, #tpu.memory_space<hbm>> -> memref<1x40x125xi32, #tpu.memory_space<hbm>>
      %dma_start3A_69 = tpu.memref_squeeze %dma_start3A_68 : memref<1x40x125xi32, #tpu.memory_space<hbm>> -> memref<40x125xi32, #tpu.memory_space<hbm>>
      %dma_start3A_70 = arith.constant 40 : i32
      %dma_start3A_71 = arith.constant 0 : i32
      %dma_start3A_72 = tpu.memref_slice %arg2[%add3A, %dma_start3A_70, %dma_start3A_71] : memref<32x80x125xi32, #tpu.memory_space<hbm>> -> memref<1x40x125xi32, #tpu.memory_space<hbm>>
      %dma_start3A_73 = tpu.memref_squeeze %dma_start3A_72 : memref<1x40x125xi32, #tpu.memory_space<hbm>> -> memref<40x125xi32, #tpu.memory_space<hbm>>
      tpu.enqueue_dma source(%dma_start3A_73 : memref<40x125xi32, #tpu.memory_space<hbm>>) target(%arg8 : memref<40x125xi32, #tpu.memory_space<vmem>>) target_semaphore(%run_scoped3A : memref<!tpu.dma_semaphore, #tpu.memory_space<semaphore_mem>>)
      %dma_wait3A = arith.constant 40 : i32
      %dma_wait3A_74 = arith.constant 0 : i32
      %dma_wait3A_75 = tpu.memref_slice %arg2[%add3A, %dma_wait3A, %dma_wait3A_74] : memref<32x80x125xi32, #tpu.memory_space<hbm>> -> memref<1x40x125xi32, #tpu.memory_space<hbm>>
      %dma_wait3A_76 = tpu.memref_squeeze %dma_wait3A_75 : memref<1x40x125xi32, #tpu.memory_space<hbm>> -> memref<40x125xi32, #tpu.memory_space<hbm>>
      %dma_wait3A_77 = arith.constant 40 : i32
      %dma_wait3A_78 = arith.constant 0 : i32
      %dma_wait3A_79 = tpu.memref_slice %arg2[%add3A, %dma_wait3A_77, %dma_wait3A_78] : memref<32x80x125xi32, #tpu.memory_space<hbm>> -> memref<1x40x125xi32, #tpu.memory_space<hbm>>
      %dma_wait3A_80 = tpu.memref_squeeze %dma_wait3A_79 : memref<1x40x125xi32, #tpu.memory_space<hbm>> -> memref<40x125xi32, #tpu.memory_space<hbm>>
      tpu.wait_dma2 semaphore(%run_scoped3A : memref<!tpu.dma_semaphore, #tpu.memory_space<semaphore_mem>>) src(%dma_wait3A_80 : memref<40x125xi32, #tpu.memory_space<hbm>>) dst(%arg8 : memref<40x125xi32, #tpu.memory_space<vmem>>)
      tpu.yield
    }) : () -> ()
    %dma_start3A_31 = arith.constant 0 : i32
    %dma_start3A_32 = arith.constant 0 : i32
    %dma_start3A_33 = arith.constant 0 : i32
    %dma_start3A_34 = arith.constant 0 : i32
    %dma_start3A_35 = tpu.memref_slice %arg9[%dma_start3A_32, %dma_start3A_33, %dma_start3A_34] : memref<2x125x128xf32, #tpu.memory_space<vmem>> -> memref<1x125x128xf32, #tpu.memory_space<vmem>>
    %dma_start3A_36 = tpu.memref_squeeze %dma_start3A_35 : memref<1x125x128xf32, #tpu.memory_space<vmem>> -> memref<125x128xf32, #tpu.memory_space<vmem>>
    %dma_start3A_37 = arith.constant 0 : i32
    %dma_start3A_38 = tpu.memref_slice %arg8[%dma_start3A_31, %dma_start3A_37] : memref<40x125xi32, #tpu.memory_space<vmem>> -> memref<1x125xi32, #tpu.memory_space<vmem>>
    %dma_start3A_39 = tpu.memref_squeeze %dma_start3A_38 : memref<1x125xi32, #tpu.memory_space<vmem>> -> memref<125xi32, #tpu.memory_space<vmem>>
    %dma_start3A_40 = arith.constant 0 : i32
    %dma_start3A_41 = arith.constant 0 : i32
    %dma_start3A_42 = tpu.memref_slice %arg4[%dma_start3A_40, %dma_start3A_41] : memref<10000x128xf32, #tpu.memory_space<hbm>> -> memref<10000x128xf32, #tpu.memory_space<hbm>>
    tpu.enqueue_indirect_dma source(%dma_start3A_42 : memref<10000x128xf32, #tpu.memory_space<hbm>>) target(%dma_start3A_36 : memref<125x128xf32, #tpu.memory_space<vmem>>) offsets(%dma_start3A_39 : memref<125xi32, #tpu.memory_space<vmem>>) semaphore(%arg10 : memref<!tpu.dma_semaphore, #tpu.memory_space<semaphore_mem>>)
    %dma_start3A_43 = arith.constant 1 : i32
    %dma_start3A_44 = arith.constant 1 : i32
    %dma_start3A_45 = arith.constant 0 : i32
    %dma_start3A_46 = arith.constant 0 : i32
    %dma_start3A_47 = tpu.memref_slice %arg9[%dma_start3A_44, %dma_start3A_45, %dma_start3A_46] : memref<2x125x128xf32, #tpu.memory_space<vmem>> -> memref<1x125x128xf32, #tpu.memory_space<vmem>>
    %dma_start3A_48 = tpu.memref_squeeze %dma_start3A_47 : memref<1x125x128xf32, #tpu.memory_space<vmem>> -> memref<125x128xf32, #tpu.memory_space<vmem>>
    %dma_start3A_49 = arith.constant 0 : i32
    %dma_start3A_50 = tpu.memref_slice %arg8[%dma_start3A_43, %dma_start3A_49] : memref<40x125xi32, #tpu.memory_space<vmem>> -> memref<1x125xi32, #tpu.memory_space<vmem>>
    %dma_start3A_51 = tpu.memref_squeeze %dma_start3A_50 : memref<1x125xi32, #tpu.memory_space<vmem>> -> memref<125xi32, #tpu.memory_space<vmem>>
    %dma_start3A_52 = arith.constant 0 : i32
    %dma_start3A_53 = arith.constant 0 : i32
    %dma_start3A_54 = tpu.memref_slice %arg4[%dma_start3A_52, %dma_start3A_53] : memref<10000x128xf32, #tpu.memory_space<hbm>> -> memref<10000x128xf32, #tpu.memory_space<hbm>>
    tpu.enqueue_indirect_dma source(%dma_start3A_54 : memref<10000x128xf32, #tpu.memory_space<hbm>>) target(%dma_start3A_48 : memref<125x128xf32, #tpu.memory_space<vmem>>) offsets(%dma_start3A_51 : memref<125xi32, #tpu.memory_space<vmem>>) semaphore(%arg11 : memref<!tpu.dma_semaphore, #tpu.memory_space<semaphore_mem>>)
    %scan3A_55 = arith.constant 0 : i32
    %scan3A_56 = arith.constant 0 : i32
    %scan3A_57 = arith.constant 20 : i32
    %scan3A_58 = arith.addi %scan3A_56, %scan3A_57 : i32
    %scan3A_59 = arith.constant 1 : i32
    scf.for %scan3A_66 = %scan3A_56 to %scan3A_58 step %scan3A_59  : i32 {
      %mul3A_67 = arith.constant 2 : i32
      %mul3A_68 = arith.muli %scan3A_66, %mul3A_67 : i32
      %add3A_69 = arith.constant 0 : i32
      %add3A_70 = arith.addi %mul3A_68, %add3A_69 : i32
      %dma_wait3A = arith.constant 0 : i32
      %dma_wait3A_71 = arith.constant 0 : i32
      %dma_wait3A_72 = arith.constant 0 : i32
      %dma_wait3A_73 = tpu.memref_slice %arg9[%dma_wait3A, %dma_wait3A_71, %dma_wait3A_72] : memref<2x125x128xf32, #tpu.memory_space<vmem>> -> memref<1x125x128xf32, #tpu.memory_space<vmem>>
      %dma_wait3A_74 = tpu.memref_squeeze %dma_wait3A_73 : memref<1x125x128xf32, #tpu.memory_space<vmem>> -> memref<125x128xf32, #tpu.memory_space<vmem>>
      %dma_wait3A_75 = arith.constant 0 : i32
      %dma_wait3A_76 = tpu.memref_slice %arg8[%add3A_70, %dma_wait3A_75] : memref<40x125xi32, #tpu.memory_space<vmem>> -> memref<1x125xi32, #tpu.memory_space<vmem>>
      %dma_wait3A_77 = tpu.memref_squeeze %dma_wait3A_76 : memref<1x125xi32, #tpu.memory_space<vmem>> -> memref<125xi32, #tpu.memory_space<vmem>>
      %dma_wait3A_78 = arith.constant 0 : i32
      %dma_wait3A_79 = arith.constant 0 : i32
      %dma_wait3A_80 = tpu.memref_slice %arg4[%dma_wait3A_78, %dma_wait3A_79] : memref<10000x128xf32, #tpu.memory_space<hbm>> -> memref<10000x128xf32, #tpu.memory_space<hbm>>
      tpu.wait_indirect_dma semaphore(%arg10 : memref<!tpu.dma_semaphore, #tpu.memory_space<semaphore_mem>>) src(%dma_wait3A_80 : memref<10000x128xf32, #tpu.memory_space<hbm>>) dst(%dma_wait3A_74 : memref<125x128xf32, #tpu.memory_space<vmem>>)
      %run_scoped3A = arith.constant 0 : i32
      "tpu.region"() ({
        %run_scoped3A_108 = tpu.sem_alloc : memref<!tpu.dma_semaphore, #tpu.memory_space<semaphore_mem>>
        %dma_start3A_109 = arith.constant 0 : i32
        %dma_start3A_110 = arith.constant 0 : i32
        %dma_start3A_111 = tpu.memref_slice %arg9[%run_scoped3A, %dma_start3A_109, %dma_start3A_110] : memref<2x125x128xf32, #tpu.memory_space<vmem>> -> memref<1x125x128xf32, #tpu.memory_space<vmem>>
        %dma_start3A_112 = tpu.memref_squeeze %dma_start3A_111 : memref<1x125x128xf32, #tpu.memory_space<vmem>> -> memref<125x128xf32, #tpu.memory_space<vmem>>
        %dma_start3A_113 = arith.constant 0 : i32
        %dma_start3A_114 = tpu.memref_slice %arg7[%add3A_70, %dma_start3A_113] : memref<40x125xi32, #tpu.memory_space<vmem>> -> memref<1x125xi32, #tpu.memory_space<vmem>>
        %dma_start3A_115 = tpu.memref_squeeze %dma_start3A_114 : memref<1x125xi32, #tpu.memory_space<vmem>> -> memref<125xi32, #tpu.memory_space<vmem>>
        %dma_start3A_116 = arith.constant 0 : i32
        %dma_start3A_117 = arith.constant 0 : i32
        %dma_start3A_118 = tpu.memref_slice %arg12[%dma_start3A_116, %dma_start3A_117] : memref<10112x128xf32, #tpu.memory_space<vmem_shared>> -> memref<10112x128xf32, #tpu.memory_space<vmem_shared>>
        tpu.enqueue_indirect_dma source(%dma_start3A_112 : memref<125x128xf32, #tpu.memory_space<vmem>>) target(%dma_start3A_118 : memref<10112x128xf32, #tpu.memory_space<vmem_shared>>) offsets(%dma_start3A_115 : memref<125xi32, #tpu.memory_space<vmem>>) semaphore(%run_scoped3A_108 : memref<!tpu.dma_semaphore, #tpu.memory_space<semaphore_mem>>) {add = true}
        %dma_wait3A_119 = arith.constant 0 : i32
        %dma_wait3A_120 = arith.constant 0 : i32
        %dma_wait3A_121 = tpu.memref_slice %arg9[%run_scoped3A, %dma_wait3A_119, %dma_wait3A_120] : memref<2x125x128xf32, #tpu.memory_space<vmem>> -> memref<1x125x128xf32, #tpu.memory_space<vmem>>
        %dma_wait3A_122 = tpu.memref_squeeze %dma_wait3A_121 : memref<1x125x128xf32, #tpu.memory_space<vmem>> -> memref<125x128xf32, #tpu.memory_space<vmem>>
        %dma_wait3A_123 = arith.constant 0 : i32
        %dma_wait3A_124 = tpu.memref_slice %arg7[%add3A_70, %dma_wait3A_123] : memref<40x125xi32, #tpu.memory_space<vmem>> -> memref<1x125xi32, #tpu.memory_space<vmem>>
        %dma_wait3A_125 = tpu.memref_squeeze %dma_wait3A_124 : memref<1x125xi32, #tpu.memory_space<vmem>> -> memref<125xi32, #tpu.memory_space<vmem>>
        %dma_wait3A_126 = arith.constant 0 : i32
        %dma_wait3A_127 = arith.constant 0 : i32
        %dma_wait3A_128 = tpu.memref_slice %arg12[%dma_wait3A_126, %dma_wait3A_127] : memref<10112x128xf32, #tpu.memory_space<vmem_shared>> -> memref<10112x128xf32, #tpu.memory_space<vmem_shared>>
        tpu.wait_indirect_dma semaphore(%run_scoped3A_108 : memref<!tpu.dma_semaphore, #tpu.memory_space<semaphore_mem>>) src(%dma_wait3A_122 : memref<125x128xf32, #tpu.memory_space<vmem>>) dst(%dma_wait3A_128 : memref<10112x128xf32, #tpu.memory_space<vmem_shared>>)
        tpu.yield
      }) : () -> ()
      %add3A_81 = arith.constant 2 : i32
      %add3A_82 = arith.addi %add3A_70, %add3A_81 : i32
      %lt3A = arith.constant 40 : i32
      %lt3A_83 = arith.cmpi slt, %add3A_82, %lt3A : i32
      %convert_element_type3A = arith.extui %lt3A_83 : i1 to i32
      %cond3A = arith.constant 0 : i32
      %cond3A_84 = arith.cmpi ne, %convert_element_type3A, %cond3A : i32
      scf.if %cond3A_84 {
        %add3A_108 = arith.constant 2 : i32
        %add3A_109 = arith.addi %add3A_70, %add3A_108 : i32
        %dma_start3A_110 = arith.constant 0 : i32
        %dma_start3A_111 = arith.constant 0 : i32
        %dma_start3A_112 = arith.constant 0 : i32
        %dma_start3A_113 = tpu.memref_slice %arg9[%dma_start3A_110, %dma_start3A_111, %dma_start3A_112] : memref<2x125x128xf32, #tpu.memory_space<vmem>> -> memref<1x125x128xf32, #tpu.memory_space<vmem>>
        %dma_start3A_114 = tpu.memref_squeeze %dma_start3A_113 : memref<1x125x128xf32, #tpu.memory_space<vmem>> -> memref<125x128xf32, #tpu.memory_space<vmem>>
        %dma_start3A_115 = arith.constant 0 : i32
        %dma_start3A_116 = tpu.memref_slice %arg8[%add3A_109, %dma_start3A_115] : memref<40x125xi32, #tpu.memory_space<vmem>> -> memref<1x125xi32, #tpu.memory_space<vmem>>
        %dma_start3A_117 = tpu.memref_squeeze %dma_start3A_116 : memref<1x125xi32, #tpu.memory_space<vmem>> -> memref<125xi32, #tpu.memory_space<vmem>>
        %dma_start3A_118 = arith.constant 0 : i32
        %dma_start3A_119 = arith.constant 0 : i32
        %dma_start3A_120 = tpu.memref_slice %arg4[%dma_start3A_118, %dma_start3A_119] : memref<10000x128xf32, #tpu.memory_space<hbm>> -> memref<10000x128xf32, #tpu.memory_space<hbm>>
        tpu.enqueue_indirect_dma source(%dma_start3A_120 : memref<10000x128xf32, #tpu.memory_space<hbm>>) target(%dma_start3A_114 : memref<125x128xf32, #tpu.memory_space<vmem>>) offsets(%dma_start3A_117 : memref<125xi32, #tpu.memory_space<vmem>>) semaphore(%arg10 : memref<!tpu.dma_semaphore, #tpu.memory_space<semaphore_mem>>)
      } else {
      }
      %mul3A_85 = arith.constant 2 : i32
      %mul3A_86 = arith.muli %scan3A_66, %mul3A_85 : i32
      %add3A_87 = arith.constant 1 : i32
      %add3A_88 = arith.addi %mul3A_86, %add3A_87 : i32
      %dma_wait3A_89 = arith.constant 1 : i32
      %dma_wait3A_90 = arith.constant 0 : i32
      %dma_wait3A_91 = arith.constant 0 : i32
      %dma_wait3A_92 = tpu.memref_slice %arg9[%dma_wait3A_89, %dma_wait3A_90, %dma_wait3A_91] : memref<2x125x128xf32, #tpu.memory_space<vmem>> -> memref<1x125x128xf32, #tpu.memory_space<vmem>>
      %dma_wait3A_93 = tpu.memref_squeeze %dma_wait3A_92 : memref<1x125x128xf32, #tpu.memory_space<vmem>> -> memref<125x128xf32, #tpu.memory_space<vmem>>
      %dma_wait3A_94 = arith.constant 0 : i32
      %dma_wait3A_95 = tpu.memref_slice %arg8[%add3A_88, %dma_wait3A_94] : memref<40x125xi32, #tpu.memory_space<vmem>> -> memref<1x125xi32, #tpu.memory_space<vmem>>
      %dma_wait3A_96 = tpu.memref_squeeze %dma_wait3A_95 : memref<1x125xi32, #tpu.memory_space<vmem>> -> memref<125xi32, #tpu.memory_space<vmem>>
      %dma_wait3A_97 = arith.constant 0 : i32
      %dma_wait3A_98 = arith.constant 0 : i32
      %dma_wait3A_99 = tpu.memref_slice %arg4[%dma_wait3A_97, %dma_wait3A_98] : memref<10000x128xf32, #tpu.memory_space<hbm>> -> memref<10000x128xf32, #tpu.memory_space<hbm>>
      tpu.wait_indirect_dma semaphore(%arg11 : memref<!tpu.dma_semaphore, #tpu.memory_space<semaphore_mem>>) src(%dma_wait3A_99 : memref<10000x128xf32, #tpu.memory_space<hbm>>) dst(%dma_wait3A_93 : memref<125x128xf32, #tpu.memory_space<vmem>>)
      %run_scoped3A_100 = arith.constant 1 : i32
      "tpu.region"() ({
        %run_scoped3A_108 = tpu.sem_alloc : memref<!tpu.dma_semaphore, #tpu.memory_space<semaphore_mem>>
        %dma_start3A_109 = arith.constant 0 : i32
        %dma_start3A_110 = arith.constant 0 : i32
        %dma_start3A_111 = tpu.memref_slice %arg9[%run_scoped3A_100, %dma_start3A_109, %dma_start3A_110] : memref<2x125x128xf32, #tpu.memory_space<vmem>> -> memref<1x125x128xf32, #tpu.memory_space<vmem>>
        %dma_start3A_112 = tpu.memref_squeeze %dma_start3A_111 : memref<1x125x128xf32, #tpu.memory_space<vmem>> -> memref<125x128xf32, #tpu.memory_space<vmem>>
        %dma_start3A_113 = arith.constant 0 : i32
        %dma_start3A_114 = tpu.memref_slice %arg7[%add3A_88, %dma_start3A_113] : memref<40x125xi32, #tpu.memory_space<vmem>> -> memref<1x125xi32, #tpu.memory_space<vmem>>
        %dma_start3A_115 = tpu.memref_squeeze %dma_start3A_114 : memref<1x125xi32, #tpu.memory_space<vmem>> -> memref<125xi32, #tpu.memory_space<vmem>>
        %dma_start3A_116 = arith.constant 0 : i32
        %dma_start3A_117 = arith.constant 0 : i32
        %dma_start3A_118 = tpu.memref_slice %arg12[%dma_start3A_116, %dma_start3A_117] : memref<10112x128xf32, #tpu.memory_space<vmem_shared>> -> memref<10112x128xf32, #tpu.memory_space<vmem_shared>>
        tpu.enqueue_indirect_dma source(%dma_start3A_112 : memref<125x128xf32, #tpu.memory_space<vmem>>) target(%dma_start3A_118 : memref<10112x128xf32, #tpu.memory_space<vmem_shared>>) offsets(%dma_start3A_115 : memref<125xi32, #tpu.memory_space<vmem>>) semaphore(%run_scoped3A_108 : memref<!tpu.dma_semaphore, #tpu.memory_space<semaphore_mem>>) {add = true}
        %dma_wait3A_119 = arith.constant 0 : i32
        %dma_wait3A_120 = arith.constant 0 : i32
        %dma_wait3A_121 = tpu.memref_slice %arg9[%run_scoped3A_100, %dma_wait3A_119, %dma_wait3A_120] : memref<2x125x128xf32, #tpu.memory_space<vmem>> -> memref<1x125x128xf32, #tpu.memory_space<vmem>>
        %dma_wait3A_122 = tpu.memref_squeeze %dma_wait3A_121 : memref<1x125x128xf32, #tpu.memory_space<vmem>> -> memref<125x128xf32, #tpu.memory_space<vmem>>
        %dma_wait3A_123 = arith.constant 0 : i32
        %dma_wait3A_124 = tpu.memref_slice %arg7[%add3A_88, %dma_wait3A_123] : memref<40x125xi32, #tpu.memory_space<vmem>> -> memref<1x125xi32, #tpu.memory_space<vmem>>
        %dma_wait3A_125 = tpu.memref_squeeze %dma_wait3A_124 : memref<1x125xi32, #tpu.memory_space<vmem>> -> memref<125xi32, #tpu.memory_space<vmem>>
        %dma_wait3A_126 = arith.constant 0 : i32
        %dma_wait3A_127 = arith.constant 0 : i32
        %dma_wait3A_128 = tpu.memref_slice %arg12[%dma_wait3A_126, %dma_wait3A_127] : memref<10112x128xf32, #tpu.memory_space<vmem_shared>> -> memref<10112x128xf32, #tpu.memory_space<vmem_shared>>
        tpu.wait_indirect_dma semaphore(%run_scoped3A_108 : memref<!tpu.dma_semaphore, #tpu.memory_space<semaphore_mem>>) src(%dma_wait3A_122 : memref<125x128xf32, #tpu.memory_space<vmem>>) dst(%dma_wait3A_128 : memref<10112x128xf32, #tpu.memory_space<vmem_shared>>)
        tpu.yield
      }) : () -> ()
      %add3A_101 = arith.constant 2 : i32
      %add3A_102 = arith.addi %add3A_88, %add3A_101 : i32
      %lt3A_103 = arith.constant 40 : i32
      %lt3A_104 = arith.cmpi slt, %add3A_102, %lt3A_103 : i32
      %convert_element_type3A_105 = arith.extui %lt3A_104 : i1 to i32
      %cond3A_106 = arith.constant 0 : i32
      %cond3A_107 = arith.cmpi ne, %convert_element_type3A_105, %cond3A_106 : i32
      scf.if %cond3A_107 {
        %add3A_108 = arith.constant 2 : i32
        %add3A_109 = arith.addi %add3A_88, %add3A_108 : i32
        %dma_start3A_110 = arith.constant 1 : i32
        %dma_start3A_111 = arith.constant 0 : i32
        %dma_start3A_112 = arith.constant 0 : i32
        %dma_start3A_113 = tpu.memref_slice %arg9[%dma_start3A_110, %dma_start3A_111, %dma_start3A_112] : memref<2x125x128xf32, #tpu.memory_space<vmem>> -> memref<1x125x128xf32, #tpu.memory_space<vmem>>
        %dma_start3A_114 = tpu.memref_squeeze %dma_start3A_113 : memref<1x125x128xf32, #tpu.memory_space<vmem>> -> memref<125x128xf32, #tpu.memory_space<vmem>>
        %dma_start3A_115 = arith.constant 0 : i32
        %dma_start3A_116 = tpu.memref_slice %arg8[%add3A_109, %dma_start3A_115] : memref<40x125xi32, #tpu.memory_space<vmem>> -> memref<1x125xi32, #tpu.memory_space<vmem>>
        %dma_start3A_117 = tpu.memref_squeeze %dma_start3A_116 : memref<1x125xi32, #tpu.memory_space<vmem>> -> memref<125xi32, #tpu.memory_space<vmem>>
        %dma_start3A_118 = arith.constant 0 : i32
        %dma_start3A_119 = arith.constant 0 : i32
        %dma_start3A_120 = tpu.memref_slice %arg4[%dma_start3A_118, %dma_start3A_119] : memref<10000x128xf32, #tpu.memory_space<hbm>> -> memref<10000x128xf32, #tpu.memory_space<hbm>>
        tpu.enqueue_indirect_dma source(%dma_start3A_120 : memref<10000x128xf32, #tpu.memory_space<hbm>>) target(%dma_start3A_114 : memref<125x128xf32, #tpu.memory_space<vmem>>) offsets(%dma_start3A_117 : memref<125xi32, #tpu.memory_space<vmem>>) semaphore(%arg11 : memref<!tpu.dma_semaphore, #tpu.memory_space<semaphore_mem>>)
      } else {
      }
    }
    %scan3A_60 = arith.constant 20 : i32
    %barrier3A_61 = arith.constant 0 : index
    tpu.barrier barrier_id(%barrier3A_61)
    %mul3A_62 = arith.constant 632 : i32
    %mul3A_63 = arith.muli %arg1, %mul3A_62 : i32
    %mul3A_64 = arith.constant 632 : i32
    %mul3A_65 = arith.muli %arg1, %mul3A_64 : i32
    "tpu.region"() ({
      %run_scoped3A = tpu.sem_alloc : memref<!tpu.dma_semaphore, #tpu.memory_space<semaphore_mem>>
      %dma_start3A_66 = arith.constant 0 : i32
      %dma_start3A_67 = tpu.memref_slice %arg6[%arg0, %mul3A_65, %dma_start3A_66] : memref<2x10112x128xf32, #tpu.memory_space<hbm>> -> memref<1x632x128xf32, #tpu.memory_space<hbm>>
      %dma_start3A_68 = tpu.memref_squeeze %dma_start3A_67 : memref<1x632x128xf32, #tpu.memory_space<hbm>> -> memref<632x128xf32, #tpu.memory_space<hbm>>
      %dma_start3A_69 = arith.constant 0 : i32
      %dma_start3A_70 = tpu.memref_slice %arg12[%mul3A_63, %dma_start3A_69] : memref<10112x128xf32, #tpu.memory_space<vmem_shared>> -> memref<632x128xf32, #tpu.memory_space<vmem_shared>>
      tpu.enqueue_dma source(%dma_start3A_70 : memref<632x128xf32, #tpu.memory_space<vmem_shared>>) target(%dma_start3A_68 : memref<632x128xf32, #tpu.memory_space<hbm>>) target_semaphore(%run_scoped3A : memref<!tpu.dma_semaphore, #tpu.memory_space<semaphore_mem>>)
      %dma_wait3A = arith.constant 0 : i32
      %dma_wait3A_71 = tpu.memref_slice %arg6[%arg0, %mul3A_65, %dma_wait3A] : memref<2x10112x128xf32, #tpu.memory_space<hbm>> -> memref<1x632x128xf32, #tpu.memory_space<hbm>>
      %dma_wait3A_72 = tpu.memref_squeeze %dma_wait3A_71 : memref<1x632x128xf32, #tpu.memory_space<hbm>> -> memref<632x128xf32, #tpu.memory_space<hbm>>
      %dma_wait3A_73 = arith.constant 0 : i32
      %dma_wait3A_74 = tpu.memref_slice %arg12[%mul3A_63, %dma_wait3A_73] : memref<10112x128xf32, #tpu.memory_space<vmem_shared>> -> memref<632x128xf32, #tpu.memory_space<vmem_shared>>
      tpu.wait_dma2 semaphore(%run_scoped3A : memref<!tpu.dma_semaphore, #tpu.memory_space<semaphore_mem>>) src(%dma_wait3A_74 : memref<632x128xf32, #tpu.memory_space<vmem_shared>>) dst(%dma_wait3A_72 : memref<632x128xf32, #tpu.memory_space<hbm>>)
      tpu.yield
    }) : () -> ()
    return
  }
}

module attributes {stable_mosaic.version = 14 : i64} {
  func.func @_mm_body(%arg0: memref<10000x128xf32, #tpu.memory_space<vmem>>, %arg1: memref<128x128xf32, #tpu.memory_space<vmem>>, %arg2: memref<10000x128xf32, #tpu.memory_space<vmem>>) attributes {dimension_semantics = [], scalar_prefetch = 0 : i64, scratch_operands = 0 : i64, tpu.core_type = #tpu.core_type<tc>} {
    %get3A = arith.constant 0 : index
    %get3A_0 = arith.constant 0 : index
    %get3A_1 = vector.load %arg0[%get3A, %get3A_0] : memref<10000x128xf32, #tpu.memory_space<vmem>>, vector<10000x128xf32>
    %get3A_2 = arith.constant 0 : index
    %get3A_3 = arith.constant 0 : index
    %get3A_4 = vector.load %arg1[%get3A_2, %get3A_3] : memref<128x128xf32, #tpu.memory_space<vmem>>, vector<128x128xf32>
    %dot_general3A = arith.constant dense<0.000000e+00> : vector<10000x128xf32>
    %dot_general3A_5 = tpu.matmul %get3A_1, %get3A_4, %dot_general3A {dimension_numbers = #tpu.dot_dimension_numbers<[1], [0], [0], [1], [0, 0, 1, 1], [], []>, transpose_lhs_hint = false} : vector<10000x128xf32>, vector<128x128xf32>, vector<10000x128xf32> -> vector<10000x128xf32>
    %swap3A = arith.constant 0 : index
    %swap3A_6 = arith.constant 0 : index
    %swap3A_7 = vector.load %arg2[%swap3A, %swap3A_6] : memref<10000x128xf32, #tpu.memory_space<vmem>>, vector<10000x128xf32>
    tpu.vector_store %arg2[%swap3A, %swap3A_6], %dot_general3A_5 {strides = array<i32>} : memref<10000x128xf32, #tpu.memory_space<vmem>>, vector<10000x128xf32>,
    return
  }
}

module attributes {stable_mosaic.version = 14 : i64} {
  func.func @_scale_body(%arg0: memref<2x10240xf32, #tpu.memory_space<vmem>>, %arg1: memref<10000x128xf32, #tpu.memory_space<vmem>>, %arg2: memref<10000x128xf32, #tpu.memory_space<vmem>>) attributes {dimension_semantics = [], scalar_prefetch = 0 : i64, scratch_operands = 0 : i64, tpu.core_type = #tpu.core_type<tc>} {
    %get3A = arith.constant 0 : index
    %get3A_0 = arith.constant 0 : index
    %get3A_1 = vector.load %arg0[%get3A, %get3A_0] : memref<2x10240xf32, #tpu.memory_space<vmem>>, vector<1x10000xf32>
    %get3A_2 = vector.shape_cast %get3A_1 : vector<1x10000xf32> to vector<10000xf32>
    %get3A_3 = arith.constant 1 : index
    %get3A_4 = arith.constant 0 : index
    %get3A_5 = vector.load %arg0[%get3A_3, %get3A_4] : memref<2x10240xf32, #tpu.memory_space<vmem>>, vector<1x10000xf32>
    %get3A_6 = vector.shape_cast %get3A_5 : vector<1x10000xf32> to vector<10000xf32>
    %add3A = arith.addf %get3A_2, %get3A_6 : vector<10000xf32>
    %add3A_7 = arith.constant 1.000000e+00 : f32
    %add3A_8 = vector.broadcast %add3A_7 : f32 to vector<10000xf32>
    %add3A_9 = arith.addf %add3A, %add3A_8 : vector<10000xf32>
    %rsqrt3A = math.rsqrt %add3A_9 : vector<10000xf32>
    %get3A_10 = arith.constant 0 : index
    %get3A_11 = arith.constant 0 : index
    %get3A_12 = vector.load %arg1[%get3A_10, %get3A_11] : memref<10000x128xf32, #tpu.memory_space<vmem>>, vector<10000x128xf32>
    %broadcast_in_dim3A = vector.shape_cast %rsqrt3A : vector<10000xf32> to vector<10000x1xf32>
    %mul3A = vector.broadcast %broadcast_in_dim3A : vector<10000x1xf32> to vector<10000x128xf32>
    %mul3A_13 = arith.mulf %get3A_12, %mul3A : vector<10000x128xf32>
    %swap3A = arith.constant 0 : index
    %swap3A_14 = arith.constant 0 : index
    %swap3A_15 = vector.load %arg2[%swap3A, %swap3A_14] : memref<10000x128xf32, #tpu.memory_space<vmem>>, vector<10000x128xf32>
    tpu.vector_store %arg2[%swap3A, %swap3A_14], %mul3A_13 {strides = array<i32>} : memref<10000x128xf32, #tpu.memory_space<vmem>>, vector<10000x128xf32>,
    return
  }
}

module attributes {stable_mosaic.version = 14 : i64} {
  func.func @_out_body(%arg0: memref<2x10112x128xf32, #tpu.memory_space<vmem>>, %arg1: memref<2x10240xf32, #tpu.memory_space<vmem>>, %arg2: memref<10000x128xf32, #tpu.memory_space<vmem>>, %arg3: memref<128xf32, #tpu.memory_space<vmem>>, %arg4: memref<10000x128xf32, #tpu.memory_space<vmem>>) attributes {dimension_semantics = [], scalar_prefetch = 0 : i64, scratch_operands = 0 : i64, tpu.core_type = #tpu.core_type<tc>} {
    %get3A = arith.constant 0 : index
    %get3A_0 = arith.constant 0 : index
    %get3A_1 = vector.load %arg1[%get3A, %get3A_0] : memref<2x10240xf32, #tpu.memory_space<vmem>>, vector<1x10000xf32>
    %get3A_2 = vector.shape_cast %get3A_1 : vector<1x10000xf32> to vector<10000xf32>
    %get3A_3 = arith.constant 1 : index
    %get3A_4 = arith.constant 0 : index
    %get3A_5 = vector.load %arg1[%get3A_3, %get3A_4] : memref<2x10240xf32, #tpu.memory_space<vmem>>, vector<1x10000xf32>
    %get3A_6 = vector.shape_cast %get3A_5 : vector<1x10000xf32> to vector<10000xf32>
    %add3A = arith.addf %get3A_2, %get3A_6 : vector<10000xf32>
    %add3A_7 = arith.constant 1.000000e+00 : f32
    %add3A_8 = vector.broadcast %add3A_7 : f32 to vector<10000xf32>
    %add3A_9 = arith.addf %add3A, %add3A_8 : vector<10000xf32>
    %rsqrt3A = math.rsqrt %add3A_9 : vector<10000xf32>
    %get3A_10 = arith.constant 0 : index
    %get3A_11 = arith.constant 0 : index
    %get3A_12 = arith.constant 0 : index
    %get3A_13 = vector.load %arg0[%get3A_10, %get3A_11, %get3A_12] : memref<2x10112x128xf32, #tpu.memory_space<vmem>>, vector<1x10000x128xf32>
    %get3A_14 = vector.shape_cast %get3A_13 : vector<1x10000x128xf32> to vector<10000x128xf32>
    %get3A_15 = arith.constant 1 : index
    %get3A_16 = arith.constant 0 : index
    %get3A_17 = arith.constant 0 : index
    %get3A_18 = vector.load %arg0[%get3A_15, %get3A_16, %get3A_17] : memref<2x10112x128xf32, #tpu.memory_space<vmem>>, vector<1x10000x128xf32>
    %get3A_19 = vector.shape_cast %get3A_18 : vector<1x10000x128xf32> to vector<10000x128xf32>
    %add3A_20 = arith.addf %get3A_14, %get3A_19 : vector<10000x128xf32>
    %get3A_21 = arith.constant 0 : index
    %get3A_22 = arith.constant 0 : index
    %get3A_23 = vector.load %arg2[%get3A_21, %get3A_22] : memref<10000x128xf32, #tpu.memory_space<vmem>>, vector<10000x128xf32>
    %broadcast_in_dim3A = vector.shape_cast %rsqrt3A : vector<10000xf32> to vector<10000x1xf32>
    %mul3A = vector.broadcast %broadcast_in_dim3A : vector<10000x1xf32> to vector<10000x128xf32>
    %mul3A_24 = arith.mulf %get3A_23, %mul3A : vector<10000x128xf32>
    %add3A_25 = arith.addf %add3A_20, %mul3A_24 : vector<10000x128xf32>
    %broadcast_in_dim3A_26 = vector.shape_cast %rsqrt3A : vector<10000xf32> to vector<10000x1xf32>
    %mul3A_27 = vector.broadcast %broadcast_in_dim3A_26 : vector<10000x1xf32> to vector<10000x128xf32>
    %mul3A_28 = arith.mulf %add3A_25, %mul3A_27 : vector<10000x128xf32>
    %get3A_29 = arith.constant 0 : index
    %get3A_30 = vector.load %arg3[%get3A_29] : memref<128xf32, #tpu.memory_space<vmem>>, vector<128xf32>
    %broadcast_in_dim3A_31 = vector.shape_cast %get3A_30 : vector<128xf32> to vector<1x128xf32>
    %add3A_32 = vector.broadcast %broadcast_in_dim3A_31 : vector<1x128xf32> to vector<10000x128xf32>
    %add3A_33 = arith.addf %mul3A_28, %add3A_32 : vector<10000x128xf32>
    %swap3A = arith.constant 0 : index
    %swap3A_34 = arith.constant 0 : index
    %swap3A_35 = vector.load %arg4[%swap3A, %swap3A_34] : memref<10000x128xf32, #tpu.memory_space<vmem>>, vector<10000x128xf32>
    tpu.vector_store %arg4[%swap3A, %swap3A_34], %add3A_33 {strides = array<i32>} : memref<10000x128xf32, #tpu.memory_space<vmem>>, vector<10000x128xf32>,
    return
  }
}

</mosaic_0001>

<sc_bundles>
// kernel: kernel.10.cloned.1.call-start
scs
__scs_entry_jumppad:
0x0: {  	(pc) =	sbr.rel $0x88, $3  }
0x1: {  	(tag) =	ssettag $0x0;
	lr =	simm.s32 $0x1  }
0x2: {  	[smem:$0x3F9D] =	sst lr;
	_ =	strace $0xD0000000  }
0x3: {  	_ = 	snop  }
0x4: {  	_ = 	snop  }
0x5: {  	_ = 	snop  }
0x6: {  	_ = 	snop  }
0x7: {  	_ = 	snop  }
__scs_overlays_trampoline_lowered:
0x8: {  	[smem:$0x3FAC] =	sst s0  }
0x9: {  	[smem:$0x3FAD] =	sst s1  }
0xa: {  	[smem:$0x3FAE] =	sst s2  }
0xb: {  	[smem:$0x3FAF] =	sst s3  }
0xc: {  	[smem:$0x3FB0] =	sst s4  }
0xd: {  	[smem:$0x3FB1] =	sst s5  }
0xe: {  	[smem:$0x3FB2] =	sst s6  }
0xf: {  	[smem:$0x3FB3] =	sst s7  }
0x10: {  	[smem:$0x3FB4] =	sst s8  }
0x11: {  	[smem:$0x3FB5] =	sst s9;
	s0 =	simm.s32 @!p0 $0x0  }
0x12: {  	s1 =	sld [smem:$0x3F9B];
	s0 =	simm.s32 @p0 $0x1  }
0x13: {  	[smem:$0x3FB6] =	sst s0;
	s0 =	simm.s32 @!p1 $0x0  }
0x14: {  	s2 =	sld [smem:$0x3F9A];
	s0 =	simm.s32 @p1 $0x1  }
0x15: {  	[smem:$0x3FB7] =	sst s0;
	s0 =	simm.s32 @!p2 $0x0  }
0x16: {  	s3 =	sld [smem:$0x3FDB];
	s0 =	simm.s32 @p2 $0x1  }
0x17: {  	s4 =	simm.s32 $0x1BF5;
	[smem:$0x3FB9] =	sst s0  }
0x18: {  	s0 =	sld [smem:$0x3F9C];
	_ =	swait.ge [sflag:s4], $0x0  }
0x19: {  	s7 =	sld [smem:$0x3F9D]  }
0x1a: {  	s8 =	sadd.s32 $0xFFFFE003, lr  }
0x1b: {  	s9 =	sadd.s32 $0xFFFFFEF7, lr;
	s5 =	simm.s32 $0xFFFFFFFF;
	p2 =	slt.u32 s8, $0xFFFFF086  }
0x1c: {  	p1 =	slt.u32 s9, $0xF7A;
	s5 =	simm.s32 @!p2 $0x0  }
0x1d: {  	s5 =	simm.s32 @p1 $0x1;
	p0 =	seq.s32 s7, s2  }
0x1e: {  	s7 =	smul.u32 @!p0 $0xF7A, s2;
	p2 =	seq.s32 @!p0 s5, $0x0  }
0x1f: {  	s9 =	smul.u32 $0xF7A, s1;
	s8 =	simm.s32 @!p0 $0x1BF5;
	p2 =	por !p2, p0  }
0x20: {  	[sflag:s8] =	ssyncset.s32 @!p0 $0xFFFFF086;
	s6 =	sadd.s32 @!p0 s3, s7;
	s7 =	simm.s32 @!p0 $0x108  }
0x21: {  	s3 =	sadd.s32 s3, s9;
	s6 =	sadd.s32 @!p0 $0x88, s6;
	s7 =	simm.s32 @p2 $0x1082  }
0x22: {  	[simem:s7], [sflag:s8] =	dma.local @!p0 [hbm:s6], $0xF7A  }
0x23: {  	s9 =	sor.u32 $0xD0000000, s2;
	s6 =	simm.s32 $0x108;
	_ =	swait.ge @!p0 [sflag:s8], $0x0  }
0x24: {  	s3 =	sadd.s32 $0x88, s3;
	s6 =	simm.s32 @!p1 $0x1082;
	[sflag:s4] =	ssyncset.s32 $0xFFFFF086  }
0x25: {  	[simem:s6], [sflag:s4] =	dma.local [hbm:s3], $0xF7A  }
0x26: {  	[smem:$0x3F9D] =	sst s1;
	(tag) =	ssettag s2;
	_ =	strace s9  }
0x27: {  	s1 =	sld [smem:$0x3FAD]  }
0x28: {  	s2 =	sld [smem:$0x3FAE]  }
0x29: {  	s4 =	sld [smem:$0x3FB0]  }
0x2a: {  	p0 =	seq.s32 s5, $0x0;
	s5 =	sld [smem:$0x3FB1]  }
0x2b: {  	s6 =	sld [smem:$0x3FB2]  }
0x2c: {  	s7 =	sld [smem:$0x3FB3]  }
0x2d: {  	s3 =	simm.s32 $0x108;
	s8 =	sld [smem:$0x3FB4]  }
0x2e: {  	s3 =	simm.s32 @!p0 $0x1082;
	s9 =	sld [smem:$0x3FB5]  }
0x2f: {  	lr =	sadd.s32 s0, s3;
	s0 =	sld [smem:$0x3FAC]  }
0x30: {  	s3 =	sld [smem:$0x3FAF]  }
0x31: {  	[smem:$0x3FB8] =	sst s10  }
0x32: {  	s10 =	sld [smem:$0x3FB6];
	_ =	sdelay $0x3  }
0x33: {  	p0 =	seq.s32 s10, $0x1;
	s10 =	sld [smem:$0x3FB8];
	_ =	sdelay $0x3  }
0x34: {  	[smem:$0x3FB8] =	sst s10  }
0x35: {  	s10 =	sld [smem:$0x3FB7];
	_ =	sdelay $0x3  }
0x36: {  	p1 =	seq.s32 s10, $0x1;
	s10 =	sld [smem:$0x3FB8];
	_ =	sdelay $0x3  }
0x37: {  	[smem:$0x3FB8] =	sst s10  }
0x38: {  	s10 =	sld [smem:$0x3FB9]  }
0x39: {  	_ = 	snop;
	(pc) =	sbr.ind lr, $3  }
0x3a: {  	_ = 	snop  }
0x3b: {  	_ = 	snop  }
0x3c: {  	p2 =	seq.s32 s10, $0x1;
	s10 =	sld [smem:$0x3FB8]  }
0x3d: {  	_ =	shalt  }
0x3e: {  	_ =	shalt  }
0x3f: {  	_ =	shalt  }
0x40: {  	_ =	shalt  }
0x41: {  	_ =	shalt  }
0x42: {  	_ =	shalt  }
0x43: {  	_ =	shalt  }
0x44: {  	_ =	shalt  }
0x45: {  	_ =	shalt  }
0x46: {  	_ =	shalt  }
0x47: {  	_ =	shalt  }
0x48: {  	_ =	shalt  }
0x49: {  	_ =	shalt  }
0x4a: {  	_ =	shalt  }
0x4b: {  	_ =	shalt  }
0x4c: {  	_ =	shalt  }
0x4d: {  	_ =	shalt  }
0x4e: {  	_ =	shalt  }
0x4f: {  	_ =	shalt  }
0x50: {  	_ =	shalt  }
0x51: {  	_ =	shalt  }
0x52: {  	_ =	shalt  }
0x53: {  	_ =	shalt  }
0x54: {  	_ =	shalt  }
0x55: {  	_ =	shalt  }
0x56: {  	_ =	shalt  }
0x57: {  	_ =	shalt  }
0x58: {  	_ =	shalt  }
0x59: {  	_ =	shalt  }
0x5a: {  	_ =	shalt  }
0x5b: {  	_ =	shalt  }
0x5c: {  	_ =	shalt  }
0x5d: {  	_ =	shalt  }
0x5e: {  	_ =	shalt  }
0x5f: {  	_ =	shalt  }
0x60: {  	_ =	shalt  }
0x61: {  	_ =	shalt  }
0x62: {  	_ =	shalt  }
0x63: {  	_ =	shalt  }
0x64: {  	_ =	shalt  }
0x65: {  	_ =	shalt  }
0x66: {  	_ =	shalt  }
0x67: {  	_ =	shalt  }
0x68: {  	_ =	shalt  }
0x69: {  	_ =	shalt  }
0x6a: {  	_ =	shalt  }
0x6b: {  	_ =	shalt  }
0x6c: {  	_ =	shalt  }
0x6d: {  	_ =	shalt  }
0x6e: {  	_ =	shalt  }
0x6f: {  	_ =	shalt  }
0x70: {  	_ =	shalt  }
0x71: {  	_ =	shalt  }
0x72: {  	_ =	shalt  }
0x73: {  	_ =	shalt  }
0x74: {  	_ =	shalt  }
0x75: {  	_ =	shalt  }
0x76: {  	_ =	shalt  }
0x77: {  	_ =	shalt  }
0x78: {  	_ =	shalt  }
0x79: {  	_ =	shalt  }
0x7a: {  	_ =	shalt  }
0x7b: {  	_ =	shalt  }
0x7c: {  	_ =	shalt  }
0x7d: {  	_ =	shalt  }
0x7e: {  	_ =	shalt  }
0x7f: {  	_ =	shalt  }
0x80: {  	_ =	shalt  }
0x81: {  	_ =	shalt  }
0x82: {  	_ =	shalt  }
0x83: {  	_ =	shalt  }
0x84: {  	_ =	shalt  }
0x85: {  	_ =	shalt  }
0x86: {  	_ =	shalt  }
0x87: {  	_ =	shalt  }
.Lfunc_end0:
.L_simem_size_0:
called_computation.1_lowered:
.L_overlay_start_0:
0x88: {  	s2 =	sld [smem:$0x3FD9]  }
0x89: {  	s3 =	sld [smem:$0x3FFE];
	_ =	sdelay $0x1  }
0x8a: {  	s1 =	srdreg.scid  }
0x8b: {  	s0 =	sand.u32 $0x1, s1  }
0x8c: {  	s17 =	sshll.u32 s0, $0xA;
	s2 =	sadd.s32 s3, s2  }
0x8d: {  	s2 =	sadd.s32 s2, s17  }
0x8e: {  	[smem:$0x3FC4] =	sst s2  }
0x8f: {  	_ = 	snop  }
0x90: {  	s2 =	sld [smem:$0x3FD0];
	(tm) =	ssettm $0x1  }
0x91: {  	s18 =	sld [smem:$0x3FFB];
	_ =	sdelay $0x3  }
0x92: {  	_ =	strace s18  }
0x93: {  	s3 =	sld [smem:$0x3FFC];
	_ =	sdelay $0x3  }
0x94: {  	_ =	strace s3  }
0x95: {  	s3 =	sld [smem:$0x3FFD];
	_ =	sdelay $0x3  }
0x96: {  	_ =	strace s3  }
0x97: {  	_ =	strace $0x8FFFFFFF  }
0x98: {  	s19 =	sld [smem:$0x3FDB];
	_ =	sdelay $0x1  }
0x99: {  	s4 =	simm.s32 $_scs_section_size  }
0x9a: {  	s5 =	simm.s32 $_size__tile_overlayer_lowered;
	s6 =	simm.s32 $_tile_overlayer_lowered  }
0x9b: {  	s22 =	simm.s32 $0x1BFF;
	s21 =	sshll.u32 s6, $0x1;
	s3 =	sadd.s32 s4, s19  }
0x9c: {  	s7 =	simm.s32 $0x0;
	s20 =	sshll.u32 s5, $0x1;
	s5 =	sadd.s32 s21, s3  }
0x9d: {  	[timem:s7], [sflag:s22] =	dma.local [hbm:s5], s20  }
0x9e: {  	_ =	swait.ge [sflag:s22], s20  }
0x9f: {  	s4 =	ssub.s32 $0x0, s20;
	[sflag:s22] =	ssyncset.done $0x0  }
0xa0: {  	[sflag:s22] =	ssyncadd.s32 s4;
	_ =	sdelay $0x1  }
0xa1: {  	s23 =	simm.s32 $0x1B8B  }
0xa2: {  	_ =	swait.ge [sflag:s23], $0x1  }
0xa3: {  	[sflag:s23] =	ssyncset.done $0x0  }
0xa4: {  	s25 =	simm.s32 $0x1B8E;
	s24 =	sld [smem:$0x3FFE];
	[sflag:s23] =	ssyncadd.s32 $0xFFFFFFFF  }
0xa5: {  	s26 =	simm.s32 $execute0_lowered;
	[smem:$0x3FD2] =	sst s25  }
0xa6: {  	s5 =	sshll.u32 s26, $0x1;
	_ =	strace $0x80000049;
	[dreg:$0x1] =	wrdreg $0xFFFFFFFF  }
0xa7: {  	s28 =	simm.s32 $_size_execute0_lowered;
	s3 =	sadd.s32 s3, s5;
	[dreg:$0x0] =	wrdreg $0x0  }
0xa8: {  	s5 =	sshll.u32 s28, $0x1;
	[dreg:$0x2] =	wrdreg s3  }
0xa9: {  	[dreg:$0x3] =	wrdreg s5  }
0xaa: {  	[dreg:$0x4] =	wrdreg $0xC0  }
0xab: {  	_ =	task [dreg:s7], $0x5FFFF  }
0xac: {  	[dreg:$0x1] =	wrdreg $0xFFFFFFFF  }
0xad: {  	[dreg:$0x0] =	wrdreg $0x60  }
0xae: {  	[dreg:$0x2] =	wrdreg s24  }
0xaf: {  	[dreg:$0x3] =	wrdreg s2  }
0xb0: {  	[dreg:$0x4] =	wrdreg $0xA8000  }
0xb1: {  	[dreg:$0x5] =	wrdreg $0x9  }
0xb2: {  	_ =	task.clear_ibuf [dreg:s7], $0x6FFFF;
	_ =	strace $0x90000049  }
0xb3: {  	s29 =	simm.s32 $0x9;
	_ =	strace $0x8000004B  }
0xb4: {  	_ =	swait.ge [sflag:s29], $0x1  }
0xb5: {  	[sflag:s29] =	ssyncadd.s32 $0xFFFFFFFF  }
0xb6: {  	_ =	strace $0x9000004B  }
0xb7: {  	_ =	sfence  }
0xb8: {  	s30 =	sld [smem:$0x0];
	_ =	sdelay $0x2  }
0xb9: {  	s31 =	sshll.u32 s1, $0xD;
	s1 =	sshrl.u32 s1, $0x2  }
0xba: {  	s3 =	sand.u32 $0x4000, s31;
	s1 =	sadd.s32 s1, s30  }
0xbb: {  	s0 =	sor.u32 s3, s0;
	s1 =	sshll.u32 s1, $0x11  }
0xbc: {  	s0 =	sor.u32 s1, s0  }
0xbd: {  	s0 =	sadd.s32 $0x8F2B, s0  }
0xbe: {  	[sflag:s0] =	ssyncadd.remote.s32 $0x1  }
0xbf: {  	_ =	sfence.sel $0xFFFF  }
0xc0: {  	[dreg:$0x0] =	wrdreg $0xFFFFFFFF;
	(pc) =	sbr.abs _section_cstart, $3  }
0xc1: {  	[dreg:$0x1] =	wrdreg $0xFFFFFFFF  }
0xc2: {  	_ =	task.clear_ibuf [dreg:s7], $0x2FFFF;
	_ =	strace $0x9FFFFFFF  }
0xc3: {  	(tm) =	ssettm $0x7FFFFFFF  }
tec
execute0_lowered:
.L_overlay_start_1:
0x0: {  	(tag) =	ssettag $0x1  }
0x1: {  	s6 =	rddreg [dreg:$0x0]  }
0x2: {  	s1 =	rddreg [dreg:$0x1]  }
0x3: {  	s2 =	rddreg [dreg:$0x2];
	s3 =	srdreg.scid  }
0x4: {  	s0 =	rddreg [dreg:$0x3];
	s4 =	simm.s32 $0x0;
	s15 =	simm.s32 $0x1400  }
0x5: {  	s16 =	simm.s32 $0x7D;
	s17 =	simm.s32 $0x2800;
	s18 =	simm.s32 $0x1480  }
0x6: {  	s19 =	simm.s32 $0x6800;
	s20 =	simm.s32 $0x1;
	s21 =	simm.s32 $0x2  }
0x7: {  	s22 =	simm.s32 $0x1300;
	s5 =	sand.u32 $0x1, s3;
	s3 =	stileid.u32  }
0x8: {  	s23 =	simm.s32 $0x1380;
	[smem:$0x7FF] =	sst s4;
	s7 =	smul.u32 $0x13C000, s5  }
0x9: {  	s10 =	sadd.s32 $0xC200, s6;
	s9 =	sadd.s32 $0x2200, s6;
	s8 =	smul.u32 $0x13C00, s3  }
0xa: {  	_ =	strace $0x8000004A;
	s24 =	sshll.u32 s3, $0x1;
	s11 =	ssub.s32 $0x2, s5  }
0xb: {  	s25 =	smul.u32 $0x4F000, s3;
	s28 =	sshll.u32 s3, $0x6;
	s5 =	sor.u32 s5, s24  }
0xc: {  	s12 =	sshrl.u32 s11, $0x1;
	s24 =	simm.s32 $0x0;
	s7 =	sadd.s32 s8, s7  }
0xd: {  	s13 =	smul.u32 $0x2800, s5;
	s5 =	sadd.s32 $0x16200, s6;
	s26 =	sshrl.u32 s25, $0x2  }
0xe: {  	s12 =	ssub.s32 s11, s12;
	s7 =	sshrl.u32 s7, $0x3;
	s30 =	sadd.s32 s26, s2  }
0xf: {  	s12 =	smax.u32 s12, $0x1;
	s14 =	sadd.s32 s7, s6;
	s29 =	sshrl.u32 s13, $0x3  }
0x10: {  	s6 =	sor.u32 $0x1C03, s28;
	s13 =	sshrl.u32 s30, $0x3;
	s31 =	sadd.s32 $0x280, s29  }
0x11: {  	s7 =	sadd.s32 s9, s29;
	s8 =	sadd.s32 s10, s29;
	s11 =	sadd.s32 $0x18A00, s14  }
0x12: {  	s14 =	simm.s32 $0x3;
	s9 =	sadd.s32 s9, s31;
	s10 =	sadd.s32 s10, s31  }
.LBB2_1:
0x13: {  	[spmem:s13], [sflag:s6] =	dma.local [hbm:s5], $0x2780  }
0x14: {  	_ =	swait.ge [sflag:s14], $0x2780  }
0x15: {  	[sflag:s14] =	ssyncset.done $0x0  }
0x16: {  	[sflag:s14] =	ssyncadd.s32 $0xFFFFD880  }
0x17: {  	[bflag:$0x0] =	sbarrier.arrive $0xFFFF  }
0x18: {  	[tilespmem:s4], [sflag:$0x3] =	stream.linear.gather [hbm4b:s7+s4], $0x1400, $0x38;
	[tilespmem:$0x1E400] =	vst v63  }
0x19: {  	_ =	swait.ge [sflag:s14], $0x1400  }
0x1a: {  	[sflag:s14] =	ssyncset.done $0x0  }
0x1b: {  	[sflag:s14] =	ssyncadd.s32 $0xFFFFEC00  }
0x1c: {  	[tilespmem:s15], [sflag:$0x3] =	stream.linear.gather [hbm4b:s8+s4], $0x1400, $0x38;
	[tilespmem:$0x1E400] =	vst v63  }
0x1d: {  	_ =	swait.ge [sflag:s14], $0x1400  }
0x1e: {  	[sflag:s14] =	ssyncset.done $0x0  }
0x1f: {  	[sflag:s14] =	ssyncadd.s32 $0xFFFFEC00  }
0x20: {  	[tilespmem:s17], [sflag:$0x1] =	stream.indirect.gather [hbm4b:s1+s16], $0x80, s15, s16, $0xb8;
	[tilespmem:$0x1E400] =	vst v63  }
0x21: {  	_ = 	snop  }
0x22: {  	[tilespmem:s19], [sflag:$0x2] =	stream.indirect.gather [hbm4b:s1+s16], $0x80, s18, s16, $0xb8;
	[tilespmem:$0x1E400] =	vst v63  }
0x23: {  	_ =	swait.ge [sflag:s20], $0x3E80  }
0x24: {  	[sflag:s20] =	ssyncset.done $0x0  }
0x25: {  	s25 =	simm.s32 $0x0;
	[sflag:s20] =	ssyncadd.s32 $0xFFFFC180  }
0x26: {  	[spmem:s2] =	stream.indirect.scatter.add.f32 [tilespmem:s17], [sflag:$0x3], $0x80, s25, s16, $0xb8;
	[tilespmem:$0x1E400] =	vst v63  }
0x27: {  	_ =	swait.ge [sflag:s14], $0x3E80  }
0x28: {  	[sflag:s14] =	ssyncset.done $0x0  }
0x29: {  	s30 =	simm.s32 $0x1500;
	[sflag:s14] =	ssyncadd.s32 $0xFFFFC180  }
0x2a: {  	[tilespmem:s17], [sflag:$0x1] =	stream.indirect.gather [hbm4b:s1+s16], $0x80, s30, s16, $0xb8;
	[tilespmem:$0x1E400] =	vst v63  }
0x2b: {  	_ =	swait.ge [sflag:s21], $0x3E80  }
0x2c: {  	[sflag:s21] =	ssyncset.done $0x0  }
0x2d: {  	s31 =	simm.s32 $0x80;
	[sflag:s21] =	ssyncadd.s32 $0xFFFFC180  }
0x2e: {  	[spmem:s2] =	stream.indirect.scatter.add.f32 [tilespmem:s19], [sflag:$0x3], $0x80, s31, s16, $0xb8;
	[tilespmem:$0x1E400] =	vst v63  }
0x2f: {  	_ =	swait.ge [sflag:s14], $0x3E80  }
0x30: {  	[sflag:s14] =	ssyncset.done $0x0  }
0x31: {  	s26 =	simm.s32 $0x1580;
	s25 =	simm.s32 $0x400;
	[sflag:s14] =	ssyncadd.s32 $0xFFFFC180  }
.LBB2_2:
0x32: {  	[tilespmem:s19], [sflag:$0x2] =	stream.indirect.gather [hbm4b:s1+s16], $0x80, s26, s16, $0xb8;
	[tilespmem:$0x1E400] =	vst v63  }
0x33: {  	s26 =	smov.u32 s25  }
0x34: {  	p0 =	sne.s32 s25, $0x4800;
	s25 =	sadd.s32 $0x400, s25;
	_ =	swait.ge [sflag:s20], $0x3E80  }
0x35: {  	[sflag:s20] =	ssyncset.done $0x0  }
0x36: {  	s26 =	sshra.s32 s26, $0x2;
	[sflag:s20] =	ssyncadd.s32 $0xFFFFC180  }
0x37: {  	[spmem:s2] =	stream.indirect.scatter.add.f32 [tilespmem:s17], [sflag:$0x3], $0x80, s26, s16, $0xb8;
	[tilespmem:$0x1E400] =	vst v63  }
0x38: {  	_ =	swait.ge [sflag:s14], $0x3E80  }
0x39: {  	[sflag:s14] =	ssyncset.done $0x0  }
0x3a: {  	s28 =	sadd.s32 $0x1500, s26;
	[sflag:s14] =	ssyncadd.s32 $0xFFFFC180  }
0x3b: {  	[tilespmem:s17], [sflag:$0x1] =	stream.indirect.gather [hbm4b:s1+s16], $0x80, s28, s16, $0xb8;
	[tilespmem:$0x1E400] =	vst v63  }
0x3c: {  	_ =	swait.ge [sflag:s21], $0x3E80  }
0x3d: {  	[sflag:s21] =	ssyncset.done $0x0  }
.Ltmp0:
0x3e: {  	s28 =	sadd.s32 $0x80, s26;
	[sflag:s21] =	ssyncadd.s32 $0xFFFFC180;
	(pc) =	sbr.rel @p0 .LBB2_2-.Ltmp0, $4  }
0x3f: {  	[spmem:s2] =	stream.indirect.scatter.add.f32 [tilespmem:s19], [sflag:$0x3], $0x80, s28, s16, $0xb8;
	[tilespmem:$0x1E400] =	vst v63  }
0x40: {  	_ =	swait.ge [sflag:s14], $0x3E80  }
0x41: {  	[sflag:s14] =	ssyncset.done $0x0  }
0x42: {  	s26 =	sadd.s32 $0x1580, s26;
	[sflag:s14] =	ssyncadd.s32 $0xFFFFC180  }
0x43: {  	[tilespmem:s19], [sflag:$0x2] =	stream.indirect.gather [hbm4b:s1+s16], $0x80, s26, s16, $0xb8;
	[tilespmem:$0x1E400] =	vst v63  }
0x44: {  	_ =	swait.ge [sflag:s20], $0x3E80  }
0x45: {  	[sflag:s20] =	ssyncset.done $0x0  }
0x46: {  	[sflag:s20] =	ssyncadd.s32 $0xFFFFC180  }
0x47: {  	[spmem:s2] =	stream.indirect.scatter.add.f32 [tilespmem:s17], [sflag:$0x3], $0x80, s22, s16, $0xb8;
	[tilespmem:$0x1E400] =	vst v63  }
0x48: {  	_ =	swait.ge [sflag:s14], $0x3E80  }
0x49: {  	[sflag:s14] =	ssyncset.done $0x0  }
0x4a: {  	[sflag:s14] =	ssyncadd.s32 $0xFFFFC180  }
0x4b: {  	_ =	swait.ge [sflag:s21], $0x3E80  }
0x4c: {  	[sflag:s21] =	ssyncset.done $0x0  }
0x4d: {  	[sflag:s21] =	ssyncadd.s32 $0xFFFFC180  }
0x4e: {  	[spmem:s2] =	stream.indirect.scatter.add.f32 [tilespmem:s19], [sflag:$0x3], $0x80, s23, s16, $0xb8;
	[tilespmem:$0x1E400] =	vst v63  }
0x4f: {  	_ =	swait.ge [sflag:s14], $0x3E80  }
0x50: {  	[sflag:s14] =	ssyncset.done $0x0  }
0x51: {  	s25 =	simm.s32 $0x0;
	[sflag:s14] =	ssyncadd.s32 $0xFFFFC180  }
0x52: {  	[tilespmem:s25], [sflag:$0x3] =	stream.linear.gather [hbm4b:s9+s25], $0x1400, $0x38;
	[tilespmem:$0x1E400] =	vst v63  }
0x53: {  	_ =	swait.ge [sflag:s14], $0x1400  }
0x54: {  	[sflag:s14] =	ssyncset.done $0x0  }
0x55: {  	[sflag:s14] =	ssyncadd.s32 $0xFFFFEC00  }
0x56: {  	[tilespmem:s15], [sflag:$0x3] =	stream.linear.gather [hbm4b:s10+s25], $0x1400, $0x38;
	[tilespmem:$0x1E400] =	vst v63  }
0x57: {  	_ =	swait.ge [sflag:s14], $0x1400  }
0x58: {  	[sflag:s14] =	ssyncset.done $0x0  }
0x59: {  	[sflag:s14] =	ssyncadd.s32 $0xFFFFEC00  }
0x5a: {  	[tilespmem:s17], [sflag:$0x1] =	stream.indirect.gather [hbm4b:s1+s16], $0x80, s15, s16, $0xb8;
	[tilespmem:$0x1E400] =	vst v63  }
0x5b: {  	_ = 	snop  }
0x5c: {  	[tilespmem:s19], [sflag:$0x2] =	stream.indirect.gather [hbm4b:s1+s16], $0x80, s18, s16, $0xb8;
	[tilespmem:$0x1E400] =	vst v63  }
0x5d: {  	_ =	swait.ge [sflag:s20], $0x3E80  }
0x5e: {  	[sflag:s20] =	ssyncset.done $0x0  }
0x5f: {  	s29 =	simm.s32 $0x0;
	[sflag:s20] =	ssyncadd.s32 $0xFFFFC180  }
0x60: {  	[spmem:s2] =	stream.indirect.scatter.add.f32 [tilespmem:s17], [sflag:$0x3], $0x80, s29, s16, $0xb8;
	[tilespmem:$0x1E400] =	vst v63  }
0x61: {  	_ =	swait.ge [sflag:s14], $0x3E80  }
0x62: {  	[sflag:s14] =	ssyncset.done $0x0  }
0x63: {  	s30 =	simm.s32 $0x1500;
	[sflag:s14] =	ssyncadd.s32 $0xFFFFC180  }
0x64: {  	[tilespmem:s17], [sflag:$0x1] =	stream.indirect.gather [hbm4b:s1+s16], $0x80, s30, s16, $0xb8;
	[tilespmem:$0x1E400] =	vst v63  }
0x65: {  	_ =	swait.ge [sflag:s21], $0x3E80  }
0x66: {  	[sflag:s21] =	ssyncset.done $0x0  }
0x67: {  	s31 =	simm.s32 $0x80;
	[sflag:s21] =	ssyncadd.s32 $0xFFFFC180  }
0x68: {  	[spmem:s2] =	stream.indirect.scatter.add.f32 [tilespmem:s19], [sflag:$0x3], $0x80, s31, s16, $0xb8;
	[tilespmem:$0x1E400] =	vst v63  }
0x69: {  	_ =	swait.ge [sflag:s14], $0x3E80  }
0x6a: {  	[sflag:s14] =	ssyncset.done $0x0  }
0x6b: {  	s26 =	simm.s32 $0x1580;
	s25 =	simm.s32 $0x400;
	[sflag:s14] =	ssyncadd.s32 $0xFFFFC180  }
.LBB2_4:
0x6c: {  	[tilespmem:s19], [sflag:$0x2] =	stream.indirect.gather [hbm4b:s1+s16], $0x80, s26, s16, $0xb8;
	[tilespmem:$0x1E400] =	vst v63  }
0x6d: {  	s26 =	smov.u32 s25  }
0x6e: {  	p0 =	sne.s32 s25, $0x4800;
	s25 =	sadd.s32 $0x400, s25;
	_ =	swait.ge [sflag:s20], $0x3E80  }
0x6f: {  	[sflag:s20] =	ssyncset.done $0x0  }
0x70: {  	s26 =	sshra.s32 s26, $0x2;
	[sflag:s20] =	ssyncadd.s32 $0xFFFFC180  }
0x71: {  	[spmem:s2] =	stream.indirect.scatter.add.f32 [tilespmem:s17], [sflag:$0x3], $0x80, s26, s16, $0xb8;
	[tilespmem:$0x1E400] =	vst v63  }
0x72: {  	_ =	swait.ge [sflag:s14], $0x3E80  }
0x73: {  	[sflag:s14] =	ssyncset.done $0x0  }
0x74: {  	s28 =	sadd.s32 $0x1500, s26;
	[sflag:s14] =	ssyncadd.s32 $0xFFFFC180  }
0x75: {  	[tilespmem:s17], [sflag:$0x1] =	stream.indirect.gather [hbm4b:s1+s16], $0x80, s28, s16, $0xb8;
	[tilespmem:$0x1E400] =	vst v63  }
0x76: {  	_ =	swait.ge [sflag:s21], $0x3E80  }
0x77: {  	[sflag:s21] =	ssyncset.done $0x0  }
.Ltmp1:
0x78: {  	s28 =	sadd.s32 $0x80, s26;
	[sflag:s21] =	ssyncadd.s32 $0xFFFFC180;
	(pc) =	sbr.rel @p0 .LBB2_4-.Ltmp1, $4  }
0x79: {  	[spmem:s2] =	stream.indirect.scatter.add.f32 [tilespmem:s19], [sflag:$0x3], $0x80, s28, s16, $0xb8;
	[tilespmem:$0x1E400] =	vst v63  }
0x7a: {  	_ =	swait.ge [sflag:s14], $0x3E80  }
0x7b: {  	[sflag:s14] =	ssyncset.done $0x0  }
0x7c: {  	s26 =	sadd.s32 $0x1580, s26;
	[sflag:s14] =	ssyncadd.s32 $0xFFFFC180  }
0x7d: {  	[tilespmem:s19], [sflag:$0x2] =	stream.indirect.gather [hbm4b:s1+s16], $0x80, s26, s16, $0xb8;
	[tilespmem:$0x1E400] =	vst v63  }
0x7e: {  	_ =	swait.ge [sflag:s20], $0x3E80  }
0x7f: {  	[sflag:s20] =	ssyncset.done $0x0  }
0x80: {  	[sflag:s20] =	ssyncadd.s32 $0xFFFFC180  }
0x81: {  	[spmem:s2] =	stream.indirect.scatter.add.f32 [tilespmem:s17], [sflag:$0x3], $0x80, s22, s16, $0xb8;
	[tilespmem:$0x1E400] =	vst v63  }
0x82: {  	_ =	swait.ge [sflag:s14], $0x3E80  }
0x83: {  	[sflag:s14] =	ssyncset.done $0x0  }
0x84: {  	[sflag:s14] =	ssyncadd.s32 $0xFFFFC180  }
0x85: {  	_ =	swait.ge [sflag:s21], $0x3E80  }
0x86: {  	[sflag:s21] =	ssyncset.done $0x0  }
0x87: {  	[sflag:s21] =	ssyncadd.s32 $0xFFFFC180  }
0x88: {  	[spmem:s2] =	stream.indirect.scatter.add.f32 [tilespmem:s19], [sflag:$0x3], $0x80, s23, s16, $0xb8;
	[tilespmem:$0x1E400] =	vst v63  }
0x89: {  	_ =	swait.ge [sflag:s14], $0x3E80  }
0x8a: {  	s24 =	sadd.s32 $0x1, s24;
	[sflag:s14] =	ssyncset.done $0x0  }
0x8b: {  	p0 =	sne.s32 s24, s12;
	[sflag:s14] =	ssyncadd.s32 $0xFFFFC180  }
.Ltmp2:
0x8c: {  	[bflag:$0x0] =	sbarrier.arrive $0xFFFF;
	(pc) =	sbr.rel @p0 .LBB2_1-.Ltmp2, $4  }
0x8d: {  	[hbm:s11], [sflag:s6] =	dma.local [spmem:s13], $0x2780  }
0x8e: {  	_ =	swait.ge [sflag:s14], $0x2780  }
0x8f: {  	[sflag:s14] =	ssyncset.done $0x0  }
0x90: {  	[sflag:s14] =	ssyncadd.s32 $0xFFFFD880  }
0x91: {  	_ =	sfence.sel $0x180000  }
0x92: {  	[bflag:$0x0] =	sbarrier.arrive $0xFFFF  }
0x93: {  	p0 =	sne.s32 s3, $0x0;
	_ =	strace $0x9000004A  }
0x94: {  	s0 =	sadd.s32 @!p0 $0x100000, s0;
	[bflag:$0x2] =	sbarrier.arrive $0xFFFF  }
0x95: {  	[sflag:s0] =	ssyncadd.tile.s32 @!p0 $0x1;
	_ =	shalt  }
.Lfunc_end2:
_tile_overlayer_lowered:
.L_overlay_start_2:
0x96: {  	(tag) =	ssettag $0x2  }
0x97: {  	s0 =	rddreg [dreg:$0x0];
	s2 =	stileid.u32  }
0x98: {  	s1 =	rddreg [dreg:$0x1];
	p0 =	sne.s32 s2, $0x0  }
0x99: {  	s3 =	rddreg [dreg:$0x2];
	[bflag:$0x3] =	sbarrier.arrive $0xFFFF;
	s2 =	simm.s32 @!p0 $0x1C03  }
0x9a: {  	[timem:s3], [sflag:s2] =	dma.local @!p0 [hbm:s0], s1  }
0x9b: {  	s0 =	simm.s32 @!p0 $0x3  }
0x9c: {  	_ =	swait.ge @!p0 [sflag:s0], s1  }
0x9d: {  	s1 =	ssub.s32 @!p0 $0x0, s1;
	[sflag:s0] =	ssyncset.done @!p0 $0x0  }
0x9e: {  	[sflag:s0] =	ssyncadd.s32 @!p0 s1  }
0x9f: {  	[bflag:$0x3] =	sbarrier.arrive $0xFFFF  }
0xa0: {  	_ =	shalt  }

// kernel: kernel.7.cloned.1.call-start
scs
__scs_entry_jumppad:
0x0: {  	(pc) =	sbr.rel $0x88, $3  }
0x1: {  	(tag) =	ssettag $0x0;
	lr =	simm.s32 $0x1  }
0x2: {  	[smem:$0x3F9D] =	sst lr;
	_ =	strace $0xD0000000  }
0x3: {  	_ = 	snop  }
0x4: {  	_ = 	snop  }
0x5: {  	_ = 	snop  }
0x6: {  	_ = 	snop  }
0x7: {  	_ = 	snop  }
__scs_overlays_trampoline_lowered:
0x8: {  	[smem:$0x3FAC] =	sst s0  }
0x9: {  	[smem:$0x3FAD] =	sst s1  }
0xa: {  	[smem:$0x3FAE] =	sst s2  }
0xb: {  	[smem:$0x3FAF] =	sst s3  }
0xc: {  	[smem:$0x3FB0] =	sst s4  }
0xd: {  	[smem:$0x3FB1] =	sst s5  }
0xe: {  	[smem:$0x3FB2] =	sst s6  }
0xf: {  	[smem:$0x3FB3] =	sst s7  }
0x10: {  	[smem:$0x3FB4] =	sst s8  }
0x11: {  	[smem:$0x3FB5] =	sst s9;
	s0 =	simm.s32 @!p0 $0x0  }
0x12: {  	s1 =	sld [smem:$0x3F9B];
	s0 =	simm.s32 @p0 $0x1  }
0x13: {  	[smem:$0x3FB6] =	sst s0;
	s0 =	simm.s32 @!p1 $0x0  }
0x14: {  	s2 =	sld [smem:$0x3F9A];
	s0 =	simm.s32 @p1 $0x1  }
0x15: {  	[smem:$0x3FB7] =	sst s0;
	s0 =	simm.s32 @!p2 $0x0  }
0x16: {  	s3 =	sld [smem:$0x3FDB];
	s0 =	simm.s32 @p2 $0x1  }
0x17: {  	s4 =	simm.s32 $0x1BF5;
	[smem:$0x3FB9] =	sst s0  }
0x18: {  	s0 =	sld [smem:$0x3F9C];
	_ =	swait.ge [sflag:s4], $0x0  }
0x19: {  	s7 =	sld [smem:$0x3F9D]  }
0x1a: {  	s8 =	sadd.s32 $0xFFFFE003, lr  }
0x1b: {  	s9 =	sadd.s32 $0xFFFFFEF7, lr;
	s5 =	simm.s32 $0xFFFFFFFF;
	p2 =	slt.u32 s8, $0xFFFFF086  }
0x1c: {  	p1 =	slt.u32 s9, $0xF7A;
	s5 =	simm.s32 @!p2 $0x0  }
0x1d: {  	s5 =	simm.s32 @p1 $0x1;
	p0 =	seq.s32 s7, s2  }
0x1e: {  	s7 =	smul.u32 @!p0 $0xF7A, s2;
	p2 =	seq.s32 @!p0 s5, $0x0  }
0x1f: {  	s9 =	smul.u32 $0xF7A, s1;
	s8 =	simm.s32 @!p0 $0x1BF5;
	p2 =	por !p2, p0  }
0x20: {  	[sflag:s8] =	ssyncset.s32 @!p0 $0xFFFFF086;
	s6 =	sadd.s32 @!p0 s3, s7;
	s7 =	simm.s32 @!p0 $0x108  }
0x21: {  	s3 =	sadd.s32 s3, s9;
	s6 =	sadd.s32 @!p0 $0x88, s6;
	s7 =	simm.s32 @p2 $0x1082  }
0x22: {  	[simem:s7], [sflag:s8] =	dma.local @!p0 [hbm:s6], $0xF7A  }
0x23: {  	s9 =	sor.u32 $0xD0000000, s2;
	s6 =	simm.s32 $0x108;
	_ =	swait.ge @!p0 [sflag:s8], $0x0  }
0x24: {  	s3 =	sadd.s32 $0x88, s3;
	s6 =	simm.s32 @!p1 $0x1082;
	[sflag:s4] =	ssyncset.s32 $0xFFFFF086  }
0x25: {  	[simem:s6], [sflag:s4] =	dma.local [hbm:s3], $0xF7A  }
0x26: {  	[smem:$0x3F9D] =	sst s1;
	(tag) =	ssettag s2;
	_ =	strace s9  }
0x27: {  	s1 =	sld [smem:$0x3FAD]  }
0x28: {  	s2 =	sld [smem:$0x3FAE]  }
0x29: {  	s4 =	sld [smem:$0x3FB0]  }
0x2a: {  	p0 =	seq.s32 s5, $0x0;
	s5 =	sld [smem:$0x3FB1]  }
0x2b: {  	s6 =	sld [smem:$0x3FB2]  }
0x2c: {  	s7 =	sld [smem:$0x3FB3]  }
0x2d: {  	s3 =	simm.s32 $0x108;
	s8 =	sld [smem:$0x3FB4]  }
0x2e: {  	s3 =	simm.s32 @!p0 $0x1082;
	s9 =	sld [smem:$0x3FB5]  }
0x2f: {  	lr =	sadd.s32 s0, s3;
	s0 =	sld [smem:$0x3FAC]  }
0x30: {  	s3 =	sld [smem:$0x3FAF]  }
0x31: {  	[smem:$0x3FB8] =	sst s10  }
0x32: {  	s10 =	sld [smem:$0x3FB6];
	_ =	sdelay $0x3  }
0x33: {  	p0 =	seq.s32 s10, $0x1;
	s10 =	sld [smem:$0x3FB8];
	_ =	sdelay $0x3  }
0x34: {  	[smem:$0x3FB8] =	sst s10  }
0x35: {  	s10 =	sld [smem:$0x3FB7];
	_ =	sdelay $0x3  }
0x36: {  	p1 =	seq.s32 s10, $0x1;
	s10 =	sld [smem:$0x3FB8];
	_ =	sdelay $0x3  }
0x37: {  	[smem:$0x3FB8] =	sst s10  }
0x38: {  	s10 =	sld [smem:$0x3FB9]  }
0x39: {  	_ = 	snop;
	(pc) =	sbr.ind lr, $3  }
0x3a: {  	_ = 	snop  }
0x3b: {  	_ = 	snop  }
0x3c: {  	p2 =	seq.s32 s10, $0x1;
	s10 =	sld [smem:$0x3FB8]  }
0x3d: {  	_ =	shalt  }
0x3e: {  	_ =	shalt  }
0x3f: {  	_ =	shalt  }
0x40: {  	_ =	shalt  }
0x41: {  	_ =	shalt  }
0x42: {  	_ =	shalt  }
0x43: {  	_ =	shalt  }
0x44: {  	_ =	shalt  }
0x45: {  	_ =	shalt  }
0x46: {  	_ =	shalt  }
0x47: {  	_ =	shalt  }
0x48: {  	_ =	shalt  }
0x49: {  	_ =	shalt  }
0x4a: {  	_ =	shalt  }
0x4b: {  	_ =	shalt  }
0x4c: {  	_ =	shalt  }
0x4d: {  	_ =	shalt  }
0x4e: {  	_ =	shalt  }
0x4f: {  	_ =	shalt  }
0x50: {  	_ =	shalt  }
0x51: {  	_ =	shalt  }
0x52: {  	_ =	shalt  }
0x53: {  	_ =	shalt  }
0x54: {  	_ =	shalt  }
0x55: {  	_ =	shalt  }
0x56: {  	_ =	shalt  }
0x57: {  	_ =	shalt  }
0x58: {  	_ =	shalt  }
0x59: {  	_ =	shalt  }
0x5a: {  	_ =	shalt  }
0x5b: {  	_ =	shalt  }
0x5c: {  	_ =	shalt  }
0x5d: {  	_ =	shalt  }
0x5e: {  	_ =	shalt  }
0x5f: {  	_ =	shalt  }
0x60: {  	_ =	shalt  }
0x61: {  	_ =	shalt  }
0x62: {  	_ =	shalt  }
0x63: {  	_ =	shalt  }
0x64: {  	_ =	shalt  }
0x65: {  	_ =	shalt  }
0x66: {  	_ =	shalt  }
0x67: {  	_ =	shalt  }
0x68: {  	_ =	shalt  }
0x69: {  	_ =	shalt  }
0x6a: {  	_ =	shalt  }
0x6b: {  	_ =	shalt  }
0x6c: {  	_ =	shalt  }
0x6d: {  	_ =	shalt  }
0x6e: {  	_ =	shalt  }
0x6f: {  	_ =	shalt  }
0x70: {  	_ =	shalt  }
0x71: {  	_ =	shalt  }
0x72: {  	_ =	shalt  }
0x73: {  	_ =	shalt  }
0x74: {  	_ =	shalt  }
0x75: {  	_ =	shalt  }
0x76: {  	_ =	shalt  }
0x77: {  	_ =	shalt  }
0x78: {  	_ =	shalt  }
0x79: {  	_ =	shalt  }
0x7a: {  	_ =	shalt  }
0x7b: {  	_ =	shalt  }
0x7c: {  	_ =	shalt  }
0x7d: {  	_ =	shalt  }
0x7e: {  	_ =	shalt  }
0x7f: {  	_ =	shalt  }
0x80: {  	_ =	shalt  }
0x81: {  	_ =	shalt  }
0x82: {  	_ =	shalt  }
0x83: {  	_ =	shalt  }
0x84: {  	_ =	shalt  }
0x85: {  	_ =	shalt  }
0x86: {  	_ =	shalt  }
0x87: {  	_ =	shalt  }
.Lfunc_end0:
.L_simem_size_0:
called_computation_lowered:
.L_overlay_start_0:
0x88: {  	s2 =	sld [smem:$0x3FD9]  }
0x89: {  	s3 =	sld [smem:$0x3FFE];
	_ =	sdelay $0x1  }
0x8a: {  	s1 =	srdreg.scid  }
0x8b: {  	s0 =	sand.u32 $0x1, s1  }
0x8c: {  	s17 =	sshll.u32 s0, $0xA;
	s2 =	sadd.s32 s3, s2  }
0x8d: {  	s2 =	sadd.s32 s2, s17  }
0x8e: {  	[smem:$0x3FC4] =	sst s2  }
0x8f: {  	_ = 	snop  }
0x90: {  	s2 =	sld [smem:$0x3FD0];
	(tm) =	ssettm $0x1  }
0x91: {  	s18 =	sld [smem:$0x3FFB];
	_ =	sdelay $0x3  }
0x92: {  	_ =	strace s18  }
0x93: {  	s3 =	sld [smem:$0x3FFC];
	_ =	sdelay $0x3  }
0x94: {  	_ =	strace s3  }
0x95: {  	s3 =	sld [smem:$0x3FFD];
	_ =	sdelay $0x3  }
0x96: {  	_ =	strace s3  }
0x97: {  	_ =	strace $0x8FFFFFFF  }
0x98: {  	s19 =	sld [smem:$0x3FDB];
	_ =	sdelay $0x1  }
0x99: {  	s4 =	simm.s32 $_scs_section_size  }
0x9a: {  	s5 =	simm.s32 $_size__tile_overlayer_lowered;
	s6 =	simm.s32 $_tile_overlayer_lowered  }
0x9b: {  	s22 =	simm.s32 $0x1BFF;
	s21 =	sshll.u32 s6, $0x1;
	s3 =	sadd.s32 s4, s19  }
0x9c: {  	s7 =	simm.s32 $0x0;
	s20 =	sshll.u32 s5, $0x1;
	s5 =	sadd.s32 s21, s3  }
0x9d: {  	[timem:s7], [sflag:s22] =	dma.local [hbm:s5], s20  }
0x9e: {  	_ =	swait.ge [sflag:s22], s20  }
0x9f: {  	s4 =	ssub.s32 $0x0, s20;
	[sflag:s22] =	ssyncset.done $0x0  }
0xa0: {  	[sflag:s22] =	ssyncadd.s32 s4;
	_ =	sdelay $0x1  }
0xa1: {  	s23 =	simm.s32 $0x1B8B  }
0xa2: {  	_ =	swait.ge [sflag:s23], $0x1  }
0xa3: {  	[sflag:s23] =	ssyncset.done $0x0  }
0xa4: {  	s25 =	simm.s32 $0x1B8E;
	s24 =	sld [smem:$0x3FFE];
	[sflag:s23] =	ssyncadd.s32 $0xFFFFFFFF  }
0xa5: {  	s26 =	simm.s32 $execute0_lowered;
	[smem:$0x3FD2] =	sst s25  }
0xa6: {  	s5 =	sshll.u32 s26, $0x1;
	_ =	strace $0x80000046;
	[dreg:$0x1] =	wrdreg $0xFFFFFFFF  }
0xa7: {  	s28 =	simm.s32 $_size_execute0_lowered;
	s3 =	sadd.s32 s3, s5;
	[dreg:$0x0] =	wrdreg $0x0  }
0xa8: {  	s5 =	sshll.u32 s28, $0x1;
	[dreg:$0x2] =	wrdreg s3  }
0xa9: {  	[dreg:$0x3] =	wrdreg s5  }
0xaa: {  	[dreg:$0x4] =	wrdreg $0xC0  }
0xab: {  	_ =	task [dreg:s7], $0x5FFFF  }
0xac: {  	[dreg:$0x1] =	wrdreg $0xFFFFFFFF  }
0xad: {  	[dreg:$0x0] =	wrdreg $0x60  }
0xae: {  	[dreg:$0x2] =	wrdreg s2  }
0xaf: {  	[dreg:$0x3] =	wrdreg s24  }
0xb0: {  	[dreg:$0x4] =	wrdreg $0x50000  }
0xb1: {  	[dreg:$0x5] =	wrdreg $0x9  }
0xb2: {  	_ =	task.clear_ibuf [dreg:s7], $0x6FFFF;
	_ =	strace $0x90000046  }
0xb3: {  	s29 =	simm.s32 $0x9;
	_ =	strace $0x80000048  }
0xb4: {  	_ =	swait.ge [sflag:s29], $0x1  }
0xb5: {  	[sflag:s29] =	ssyncadd.s32 $0xFFFFFFFF  }
0xb6: {  	_ =	strace $0x90000048  }
0xb7: {  	_ =	sfence  }
0xb8: {  	s30 =	sld [smem:$0x0];
	_ =	sdelay $0x2  }
0xb9: {  	s31 =	sshll.u32 s1, $0xD;
	s1 =	sshrl.u32 s1, $0x2  }
0xba: {  	s3 =	sand.u32 $0x4000, s31;
	s1 =	sadd.s32 s1, s30  }
0xbb: {  	s0 =	sor.u32 s3, s0;
	s1 =	sshll.u32 s1, $0x11  }
0xbc: {  	s0 =	sor.u32 s1, s0  }
0xbd: {  	s0 =	sadd.s32 $0x8F2B, s0  }
0xbe: {  	[sflag:s0] =	ssyncadd.remote.s32 $0x1  }
0xbf: {  	_ =	sfence.sel $0xFFFF  }
0xc0: {  	[dreg:$0x0] =	wrdreg $0xFFFFFFFF;
	(pc) =	sbr.abs _section_cstart, $3  }
0xc1: {  	[dreg:$0x1] =	wrdreg $0xFFFFFFFF  }
0xc2: {  	_ =	task.clear_ibuf [dreg:s7], $0x2FFFF;
	_ =	strace $0x9FFFFFFF  }
0xc3: {  	(tm) =	ssettm $0x7FFFFFFF  }
tec
execute0_lowered:
.L_overlay_start_1:
0x0: {  	(tag) =	ssettag $0x1  }
0x1: {  	s5 =	rddreg [dreg:$0x0]  }
0x2: {  	s6 =	rddreg [dreg:$0x1]  }
0x3: {  	s1 =	rddreg [dreg:$0x2]  }
0x4: {  	s0 =	rddreg [dreg:$0x3]  }
0x5: {  	s2 =	simm.s32 $0x0;
	s4 =	srdreg.scid;
	s8 =	stileid.u32  }
0x6: {  	s14 =	simm.s32 $0x50;
	s15 =	simm.s32 $0x0;
	[smem:$0x7FF] =	sst s2  }
0x7: {  	s3 =	sadd.s32 $0x1000, s6;
	s4 =	sand.u32 $0x1, s4;
	s7 =	sshrl.u32 s8, $0x2  }
0x8: {  	s9 =	sshll.u32 s8, $0x8;
	p0 =	sne.s32 s8, $0x0;
	s8 =	simm.s32 $0x2780  }
0x9: {  	_ =	strace $0x80000047;
	s7 =	smul.u32 $0x13C00, s7;
	s10 =	sshll.u32 s4, $0x7  }
0xa: {  	s9 =	sand.u32 $0x300, s9;
	s11 =	smul.u32 $0x500, s4;
	s12 =	ssub.s32 $0x2, s4  }
0xb: {  	s4 =	sadd.s32 $0x1200, s6;
	s13 =	sshrl.u32 @!p0 s1, $0x3;
	s9 =	sor.u32 s10, s9  }
0xc: {  	s30 =	sshrl.u32 s12, $0x1;
	s10 =	simm.s32 $0x2800;
	s7 =	sor.u32 s7, s9  }
0xd: {  	s6 =	sadd.s32 s11, s6;
	s31 =	ssub.s32 s12, s30;
	s9 =	simm.s32 $0x1  }
0xe: {  	s11 =	simm.s32 $0x80;
	s12 =	simm.s32 $0x400;
	s7 =	sshrl.u32 s7, $0x3  }
0xf: {  	v0 =	vimm.f32 $1.000000000e+00;
	s6 =	sadd.s32 $0x1800, s6;
	s5 =	sadd.s32 s5, s7;
	s7 =	smax.u32 s31, $0x1  }
.LBB2_1:
0x10: {  	[tilespmem:s8], [sflag:$0x1] =	stream.linear.gather [hbm4b:s3+s2], $0x80, $0x38;
	[tilespmem:$0x5280] =	vst v63  }
0x11: {  	_ =	swait.ge [sflag:s9], $0x80  }
0x12: {  	[sflag:s9] =	ssyncset.done $0x0  }
0x13: {  	[sflag:s9] =	ssyncadd.s32 $0xFFFFFF80  }
0x14: {  	[tilespmem:s10], [sflag:$0x1] =	stream.linear.gather [hbm4b:s4+s2], $0x2800, $0x38;
	[tilespmem:$0x5280] =	vst v63  }
0x15: {  	_ =	swait.ge [sflag:s9], $0x2800  }
0x16: {  	[sflag:s9] =	ssyncset.done $0x0  }
0x17: {  	[sflag:s9] =	ssyncadd.s32 $0xFFFFD800  }
0x18: {  	[tilespmem:s2], [sflag:$0x1] =	stream.strided.gather [hbm4b:s5+s11], $0x2780, s12, s11, $0x38;
	[tilespmem:$0x5280] =	vst v63  }
0x19: {  	_ =	swait.ge [sflag:s9], $0x2780  }
0x1a: {  	[sflag:s9] =	ssyncset.done $0x0  }
0x1b: {  	s16 =	simm.s32 @!p0 $0x1C01;
	[sflag:s9] =	ssyncadd.s32 $0xFFFFD880  }
0x1c: {  	[spmem:s13], [sflag:s16] =	dma.local @!p0 [hbm:s4], $0x500  }
0x1d: {  	s16 =	simm.s32 @!p0 $0x1  }
0x1e: {  	_ =	swait.ge @!p0 [sflag:s16], $0x500  }
0x1f: {  	[sflag:s16] =	ssyncset.done @!p0 $0x0  }
0x20: {  	s17 =	simm.s32 $0x0;
	[sflag:s16] =	ssyncadd.s32 @!p0 $0xFFFFFB00;
	s16 =	simm.s32 $0x40  }
.LBB2_2:
0x21: {  	p1 =	sne.s32 s16, $0x9C00;
	v1 =	vld [tilespmem:s17+$0x0];
	_ =	sdelay $0x3  }
.Ltmp0:
0x22: {  	(pc) =	sbr.rel @p1 .LBB2_2-.Ltmp0, $2  }
0x23: {  	_ =	sdelay $0x2  }
0x24: {  	s17 =	sshra.s32 s16, $0x2;
	s16 =	sadd.s32 $0x40, s16;
	[tilespmem:v1+s10+$0x0] =	vst.idx.add.f32.msk $0xffff, v0  }
0x25: {  	v1 =	vld [tilespmem:s17+$0x0];
	_ =	sdelay $0x7  }
0x26: {  	[tilespmem:v1+s10+$0x0] =	vst.idx.add.f32.msk $0xffff, v0  }
0x27: {  	[bflag:$0x0] =	sbarrier.arrive $0xFFFF  }
0x28: {  	[spmem:s1] =	stream.indirect.scatter.add.f32 [tilespmem:s10], [sflag:$0x1], $0x80, s8, s14, $0xb8;
	[tilespmem:$0x5280] =	vst v63  }
0x29: {  	_ =	swait.ge [sflag:s9], $0x2800  }
0x2a: {  	[sflag:s9] =	ssyncset.done $0x0  }
0x2b: {  	s15 =	sadd.s32 $0x1, s15;
	[sflag:s9] =	ssyncadd.s32 $0xFFFFD800  }
0x2c: {  	s16 =	simm.s32 @!p0 $0x1C01;
	p1 =	sne.s32 s15, s7;
	[bflag:$0x0] =	sbarrier.arrive $0xFFFF  }
0x2d: {  	[hbm:s6], [sflag:s16] =	dma.local @!p0 [spmem:s13], $0x500  }
.Ltmp1:
0x2e: {  	_ = 	snop;
	(pc) =	sbr.rel @p1 .LBB2_1-.Ltmp1, $4  }
0x2f: {  	s16 =	simm.s32 @!p0 $0x1  }
0x30: {  	_ =	swait.ge @!p0 [sflag:s16], $0x500  }
0x31: {  	[sflag:s16] =	ssyncset.done @!p0 $0x0  }
0x32: {  	[sflag:s16] =	ssyncadd.s32 @!p0 $0xFFFFFB00  }
0x33: {  	_ =	sfence.sel $0x180000  }
0x34: {  	[bflag:$0x0] =	sbarrier.arrive $0xFFFF  }
0x35: {  	_ =	strace $0x90000047  }
0x36: {  	s0 =	sadd.s32 @!p0 $0x100000, s0;
	[bflag:$0x2] =	sbarrier.arrive $0xFFFF  }
0x37: {  	[sflag:s0] =	ssyncadd.tile.s32 @!p0 $0x1;
	_ =	shalt  }
.Lfunc_end2:
_tile_overlayer_lowered:
.L_overlay_start_2:
0x38: {  	(tag) =	ssettag $0x2  }
0x39: {  	s0 =	rddreg [dreg:$0x0];
	s2 =	stileid.u32  }
0x3a: {  	s1 =	rddreg [dreg:$0x1];
	p0 =	sne.s32 s2, $0x0  }
0x3b: {  	s3 =	rddreg [dreg:$0x2];
	[bflag:$0x3] =	sbarrier.arrive $0xFFFF;
	s2 =	simm.s32 @!p0 $0x1C01  }
0x3c: {  	[timem:s3], [sflag:s2] =	dma.local @!p0 [hbm:s0], s1  }
0x3d: {  	s0 =	simm.s32 @!p0 $0x1  }
0x3e: {  	_ =	swait.ge @!p0 [sflag:s0], s1  }
0x3f: {  	s1 =	ssub.s32 @!p0 $0x0, s1;
	[sflag:s0] =	ssyncset.done @!p0 $0x0  }
0x40: {  	[sflag:s0] =	ssyncadd.s32 @!p0 s1  }
0x41: {  	[bflag:$0x3] =	sbarrier.arrive $0xFFFF  }
0x42: {  	_ =	shalt  }

</sc_bundles>
